<compile_context>
chip_gen: v7x
topology: tpu7x:2x2x1
jax: 0.10.2.dev20260603
libtpu: 0.0.44.dev20260713+nightly
codegen_flags: <defaults>
</compile_context>

<pallas_src>
import functools

import jax
import jax.numpy as jnp
from jax import lax
from jax.experimental import pallas as pl
from jax.experimental.pallas import tpu as pltpu
from jax.experimental.pallas import tpu_sc as plsc

L = 16


def _rsqrt_newton(ss):
    i = lax.bitcast_convert_type(ss, jnp.int32)
    i = jnp.int32(0x5F3759DF) - lax.shift_right_logical(i, 1)
    y = lax.bitcast_convert_type(i, jnp.float32)
    half = ss * 0.5
    for _ in range(3):
        y = y * (1.5 - (half * y) * y)
    return y


def _make_sc_kernel(B, N, G):
    info = plsc.get_sparse_core_info()
    NC, NS = info.num_cores, info.num_subcores
    NW = NC * NS
    total = B * N
    K = total // NW
    tiles_per_b = N // K
    CS = 1024
    NCH = K // CS
    VC = CS // L
    G3 = G * G * G
    mesh = plsc.VectorSubcoreMesh(core_axis_name="c", subcore_axis_name="s")

    COFF = [(i * G * G + j * G + k) for i in (0, 1) for j in (0, 1) for k in (0, 1)]

    @functools.partial(
        pl.kernel,
        mesh=mesh,
        out_type=[
            jax.ShapeDtypeStruct((B * N,), jnp.float32),
            jax.ShapeDtypeStruct((B * 3 * N,), jnp.float32),
            jax.ShapeDtypeStruct((NW * L,), jnp.float32),
        ],
        scratch_types=(
            [pltpu.VMEM((K,), jnp.float32) for _ in range(3)]
            + [pltpu.VMEM((K,), jnp.float32) for _ in range(3)]
            + [pltpu.VMEM((K,), jnp.int32) for _ in range(8)]
            + [pltpu.VMEM((K,), jnp.float32) for _ in range(8)]
            + [pltpu.VMEM((K,), jnp.float32)]
            + [pltpu.VMEM((K,), jnp.float32) for _ in range(3)]
            + [pltpu.VMEM((9 * L,), jnp.float32)]
            + [pltpu.VMEM((L,), jnp.float32)]
            + [pltpu.SemaphoreType.DMA for _ in range(4)]
        ),
    )
    def sc_kernel(pss_hbm, grid_hbm, params_hbm,
                  dss_hbm, nss_hbm, lpart_hbm,
                  cx, cy, cz, fx_, fy_, fz_,
                  i0, i1, i2, i3, i4, i5, i6, i7,
                  g0, g1, g2, g3, g4, g5, g6, g7,
                  dbuf, n0b, n1b, n2b, pbuf, lbuf,
                  sem0, sem1, sem2, sem3):
        sems = (sem0, sem1, sem2, sem3)
        cbuf = (cx, cy, cz)
        fbuf = (fx_, fy_, fz_)
        idxb = (i0, i1, i2, i3, i4, i5, i6, i7)
        corn = (g0, g1, g2, g3, g4, g5, g6, g7)

        wid = lax.axis_index("s") * NC + lax.axis_index("c")
        b = wid // tiles_per_b
        n0 = (wid % tiles_per_b) * K

        for a in range(3):
            pltpu.sync_copy(pss_hbm.at[pl.ds((b * 3 + a) * N + n0, K)], cbuf[a])
        pltpu.sync_copy(params_hbm.at[pl.ds(b * 9 * L, 9 * L)], pbuf)

        gbase = b * G3

        def phase_a(v, _):
            sl = pl.ds(v * L, L)
            ib = []
            for a in range(3):
                p = cbuf[a][sl]
                f0 = jnp.maximum(
                    jnp.minimum((p - pbuf[pl.ds(a * L, L)]) * pbuf[pl.ds((3 + a) * L, L)],
                                pbuf[pl.ds((6 + a) * L, L)]), 0.0)
                ia = f0.astype(jnp.int32)
                fbuf[a][sl] = f0 - ia.astype(jnp.float32)
                ib.append(ia)
            flat = (ib[0] * G + ib[1]) * G + ib[2] + gbase
            for c in range(8):
                idxb[c][sl] = flat + COFF[c]
            return 0

        def fire(ch):
            cs = pl.ds(ch * CS, CS)
            for c in range(8):
                pltpu.async_copy(grid_hbm.at[idxb[c].at[cs]], corn[c].at[cs],
                                 sems[ch])

        def drain(ch):
            cs = pl.ds(ch * CS, CS)
            for c in range(8):
                pltpu.make_async_copy(
                    grid_hbm.at[idxb[c].at[cs]], corn[c].at[cs],
                    sems[ch]).wait()

        def phase_c(v, acc):
            sl = pl.ds(v * L, L)
            w = [corn[c][sl] for c in range(8)]
            fx = fbuf[0][sl]
            fy = fbuf[1][sl]
            fz = fbuf[2][sl]
            gx = 1.0 - fx
            gy = 1.0 - fy
            gz = 1.0 - fz
            w00 = gy * gz
            w01 = gy * fz
            w10 = fy * gz
            w11 = fy * fz
            p0 = w[0] * w00 + w[1] * w01 + w[2] * w10 + w[3] * w11
            p1 = w[4] * w00 + w[5] * w01 + w[6] * w10 + w[7] * w11
            dss = gx * p0 + fx * p1
            n0v = p1 - p0
            q0 = (w[2] - w[0]) * gz + (w[3] - w[1]) * fz
            q1 = (w[6] - w[4]) * gz + (w[7] - w[5]) * fz
            n1v = gx * q0 + fx * q1
            r0 = (w[1] - w[0]) * gy + (w[3] - w[2]) * fy
            r1 = (w[5] - w[4]) * gy + (w[7] - w[6]) * fy
            n2v = gx * r0 + fx * r1
            ss = n0v * n0v + n1v * n1v + n2v * n2v
            inv = jnp.minimum(_rsqrt_newton(ss), 1e5)
            dbuf[sl] = dss
            n0b[sl] = n0v * inv
            n1b[sl] = n1v * inv
            n2b[sl] = n2v * inv
            return acc + jnp.minimum(dss, 0.0)

        acc = jnp.zeros((L,), jnp.float32)
        lax.fori_loop(0, VC, phase_a, 0, unroll=False)
        fire(0)
        for ch in range(1, NCH):
            lax.fori_loop(ch * VC, (ch + 1) * VC, phase_a, 0, unroll=False)
            fire(ch)
            drain(ch - 1)
            acc = lax.fori_loop((ch - 1) * VC, ch * VC, phase_c, acc,
                                unroll=False)
        drain(NCH - 1)
        acc = lax.fori_loop((NCH - 1) * VC, NCH * VC, phase_c, acc,
                            unroll=False)
        lbuf[...] = acc

        pltpu.sync_copy(dbuf, dss_hbm.at[pl.ds(b * N + n0, K)])
        for a, nb in enumerate((n0b, n1b, n2b)):
            pltpu.sync_copy(nb, nss_hbm.at[pl.ds((b * 3 + a) * N + n0, K)])
        pltpu.sync_copy(lbuf, lpart_hbm.at[pl.ds(wid * L, L)])

    return sc_kernel


def kernel(pss, sdf_grid, first, coef, max_limit):
    B, _, N = pss.shape
    G = sdf_grid.shape[-1]
    grid_flat = sdf_grid.reshape(B * G * G * G)
    pss_flat = pss.reshape(B * 3 * N)
    params = jnp.stack([first, coef, max_limit], axis=1)
    params = jnp.broadcast_to(params[..., None], (B, 3, 3, L))
    params = params.astype(jnp.float32).reshape(B * 9 * L)
    sc = _make_sc_kernel(B, N, G)
    dss_flat, nss_flat, lpart = sc(pss_flat, grid_flat, params)
    dss = dss_flat.reshape(B, N)
    nss = jnp.transpose(nss_flat.reshape(B, 3, N), (0, 2, 1))
    loss = -jnp.sum(lpart)
    return dss, nss, loss

# --- scband reference (transcript-rebuilt; emitter-appended) ---
"""Pipeline reference for scband-distance-74406013436418 (READ-ONLY COPY).

The authoritative reference and input builder live on the scoring server;
editing this copy changes nothing except your own understanding.
"""

import jax, jax.numpy as jnp
import numpy as np

B, N, G = 4, 16384, 128

def setup_inputs(seed: int = 0) -> dict:
    key = jax.random.key(seed)
    k1, k2 = jax.random.split(key)
    pss = jax.random.uniform(k1, (B, 3, N), dtype=jnp.float32) * (G - 1)
    sdf_grid = jax.random.normal(k2, (B, G, G, G), dtype=jnp.float32)
    first = jnp.zeros((B, 3), dtype=jnp.float32)
    coef = jnp.ones((B, 3), dtype=jnp.float32)
    max_limit = jnp.ones((B, 3), dtype=jnp.float32) * (G - 2)
    return {"pss": pss, "sdf_grid": sdf_grid, "first": first, "coef": coef, "max_limit": max_limit}

def _lookup(grid, idx):
    # grid: [G,G,G], idx: [N,3] int32 -> [N]
    return grid[idx[:, 0], idx[:, 1], idx[:, 2]]

_lookup_batch = jax.vmap(_lookup, in_axes=(0, 0))

def _distance_forward(pss, sdf_grid, first, coef, max_limit):
    eps = 1e-5
    p = jnp.transpose(pss, (0, 2, 1))  # [B,N,3]
    frac0 = jnp.clip(jnp.minimum((p - first[:, None, :]) * coef[:, None, :], max_limit[:, None, :]), 0.0, None)
    base = jnp.floor(frac0)
    frac = frac0 - base
    ib = base.astype(jnp.int32)
    corners = {}
    for i in (0, 1):
        for j in (0, 1):
            for k in (0, 1):
                off = jnp.array([i, j, k], dtype=jnp.int32)
                corners[(i, j, k)] = _lookup_batch(sdf_grid, ib + off)  # [B,N]
    fx, fy, fz = frac[:, :, 0], frac[:, :, 1], frac[:, :, 2]
    wx = (1.0 - fx, fx)
    wy = (1.0 - fy, fy)
    wz = (1.0 - fz, fz)
    # trilinear interpolation (interp3d_batch)
    dss = jnp.zeros_like(fx)
    for i in (0, 1):
        for j in (0, 1):
            for k in (0, 1):
                dss = dss + corners[(i, j, k)] * wx[i] * wy[j] * wz[k]
    # finite-difference normals (cal_norm_batch with grad=True interps)
    n0 = jnp.zeros_like(fx)
    for j in (0, 1):
        for k in (0, 1):
            n0 = n0 + (corners[(1, j, k)] - corners[(0, j, k)]) * wy[j] * wz[k]
    n1 = jnp.zeros_like(fx)
    for i in (0, 1):
        for k in (0, 1):
            n1 = n1 + (corners[(i, 1, k)] - corners[(i, 0, k)]) * wx[i] * wz[k]
    n2 = jnp.zeros_like(fx)
    for i in (0, 1):
        for j in (0, 1):
            n2 = n2 + (corners[(i, j, 1)] - corners[(i, j, 0)]) * wx[i] * wy[j]
    normal = jnp.stack([n0, n1, n2], axis=2)  # [B,N,3]
    nss = normal / jnp.clip(jnp.linalg.norm(normal, axis=2, keepdims=True), eps, None)
    loss = jnp.sum(jnp.clip(dss, None, 0.0)) * -1.0
    return dss, nss, loss

def reference(pss, sdf_grid, first, coef, max_limit):
    return _distance_forward(pss, sdf_grid, first, coef, max_limit)

if __name__ == "__main__":
    import jax
    _d = setup_inputs()
    print(jax.jit(kernel)(*tuple(_d.values())))

</pallas_src>

<mosaic_0001>
#map = affine_map<(d0, d1) -> (0)>
module attributes {stable_mosaic.version = 14 : i64} {
  func.func @sc_kernel(%arg0: i32, %arg1: i32, %arg2: memref<196608xf32, #tpu.memory_space<hbm>>, %arg3: memref<8388608xf32, #tpu.memory_space<hbm>>, %arg4: memref<576xf32, #tpu.memory_space<hbm>>, %arg5: memref<65536xf32, #tpu.memory_space<hbm>>, %arg6: memref<196608xf32, #tpu.memory_space<hbm>>, %arg7: memref<512xf32, #tpu.memory_space<hbm>>, %arg8: memref<2048xf32, #tpu.memory_space<vmem>>, %arg9: memref<2048xf32, #tpu.memory_space<vmem>>, %arg10: memref<2048xf32, #tpu.memory_space<vmem>>, %arg11: memref<2048xf32, #tpu.memory_space<vmem>>, %arg12: memref<2048xf32, #tpu.memory_space<vmem>>, %arg13: memref<2048xf32, #tpu.memory_space<vmem>>, %arg14: memref<2048xi32, #tpu.memory_space<vmem>>, %arg15: memref<2048xi32, #tpu.memory_space<vmem>>, %arg16: memref<2048xi32, #tpu.memory_space<vmem>>, %arg17: memref<2048xi32, #tpu.memory_space<vmem>>, %arg18: memref<2048xi32, #tpu.memory_space<vmem>>, %arg19: memref<2048xi32, #tpu.memory_space<vmem>>, %arg20: memref<2048xi32, #tpu.memory_space<vmem>>, %arg21: memref<2048xi32, #tpu.memory_space<vmem>>, %arg22: memref<2048xf32, #tpu.memory_space<vmem>>, %arg23: memref<2048xf32, #tpu.memory_space<vmem>>, %arg24: memref<2048xf32, #tpu.memory_space<vmem>>, %arg25: memref<2048xf32, #tpu.memory_space<vmem>>, %arg26: memref<2048xf32, #tpu.memory_space<vmem>>, %arg27: memref<2048xf32, #tpu.memory_space<vmem>>, %arg28: memref<2048xf32, #tpu.memory_space<vmem>>, %arg29: memref<2048xf32, #tpu.memory_space<vmem>>, %arg30: memref<2048xf32, #tpu.memory_space<vmem>>, %arg31: memref<2048xf32, #tpu.memory_space<vmem>>, %arg32: memref<2048xf32, #tpu.memory_space<vmem>>, %arg33: memref<2048xf32, #tpu.memory_space<vmem>>, %arg34: memref<144xf32, #tpu.memory_space<vmem>>, %arg35: memref<16xf32, #tpu.memory_space<vmem>>, %arg36: memref<!tpu.dma_semaphore, #tpu.memory_space<semaphore_mem>>, %arg37: memref<!tpu.dma_semaphore, #tpu.memory_space<semaphore_mem>>, %arg38: memref<!tpu.dma_semaphore, #tpu.memory_space<semaphore_mem>>, %arg39: memref<!tpu.dma_semaphore, #tpu.memory_space<semaphore_mem>>) attributes {dimension_semantics = [#tpu.dimension_semantics<core_parallel>, #tpu.dimension_semantics<subcore_parallel>], iteration_bounds = array<i64: 2, 16>, scalar_prefetch = 0 : i64, scratch_operands = 32 : i64, tpu.core_type = #tpu.core_type<sc_vector_subcore>, window_params = [{transform_indices = #map}, {transform_indices = #map}, {transform_indices = #map}, {transform_indices = #map}, {transform_indices = #map}, {transform_indices = #map}]} {
    %mul3A = arith.constant 2 : i32
    %mul3A_0 = arith.muli %arg1, %mul3A : i32
    %add3A = arith.addi %mul3A_0, %arg0 : i32
    %jit3A = arith.constant 8 : i32
    %div3A = arith.divsi %add3A, %jit3A : i32
    %sign3A = arith.constant 0 : i32
    %sign3A_1 = arith.cmpi sgt, %add3A, %sign3A : i32
    %sign3A_2 = arith.extui %sign3A_1 : i1 to i32
    %sign3A_3 = arith.constant 0 : i32
    %sign3A_4 = arith.cmpi slt, %add3A, %sign3A_3 : i32
    %sign3A_5 = arith.extui %sign3A_4 : i1 to i32
    %sign3A_6 = arith.subi %sign3A_2, %sign3A_5 : i32
    %sign3A_7 = arith.constant 0 : i32
    %sign3A_8 = arith.cmpi sgt, %jit3A, %sign3A_7 : i32
    %sign3A_9 = arith.extui %sign3A_8 : i1 to i32
    %sign3A_10 = arith.constant 0 : i32
    %sign3A_11 = arith.cmpi slt, %jit3A, %sign3A_10 : i32
    %sign3A_12 = arith.extui %sign3A_11 : i1 to i32
    %sign3A_13 = arith.subi %sign3A_9, %sign3A_12 : i32
    %ne3A = arith.cmpi ne, %sign3A_6, %sign3A_13 : i32
    %rem3A = arith.remsi %add3A, %jit3A : i32
    %ne3A_14 = arith.constant 0 : i32
    %ne3A_15 = arith.cmpi ne, %rem3A, %ne3A_14 : i32
    %and3A = arith.andi %ne3A, %ne3A_15 : i1
    %sub3A = arith.constant 1 : i32
    %sub3A_16 = arith.subi %div3A, %sub3A : i32
    %select_n3A = arith.select %and3A, %sub3A_16, %div3A : i32
    %jit3A_17 = arith.constant 8 : i32
    %eq3A = arith.constant 0 : i32
    %eq3A_18 = arith.cmpi eq, %jit3A_17, %eq3A : i32
    %jit3A_19 = arith.constant 1 : i32
    %select_n3A_20 = arith.select %eq3A_18, %jit3A_19, %jit3A_17 : i32
    %rem3A_21 = arith.remsi %add3A, %select_n3A_20 : i32
    %ne3A_22 = arith.constant 0 : i32
    %ne3A_23 = arith.cmpi ne, %rem3A_21, %ne3A_22 : i32
    %lt3A = arith.constant 0 : i32
    %lt3A_24 = arith.cmpi slt, %rem3A_21, %lt3A : i32
    %lt3A_25 = arith.constant 0 : i32
    %lt3A_26 = arith.cmpi slt, %select_n3A_20, %lt3A_25 : i32
    %ne3A_27 = arith.xori %lt3A_24, %lt3A_26 : i1
    %and3A_28 = arith.andi %ne3A_27, %ne3A_23 : i1
    %add3A_29 = arith.addi %rem3A_21, %select_n3A_20 : i32
    %select_n3A_30 = arith.select %and3A_28, %add3A_29, %rem3A_21 : i32
    %mul3A_31 = arith.constant 2048 : i32
    %mul3A_32 = arith.muli %select_n3A_30, %mul3A_31 : i32
    %mul3A_33 = arith.constant 3 : i32
    %mul3A_34 = arith.muli %select_n3A, %mul3A_33 : i32
    %add3A_35 = arith.constant 0 : i32
    %add3A_36 = arith.addi %mul3A_34, %add3A_35 : i32
    %mul3A_37 = arith.constant 16384 : i32
    %mul3A_38 = arith.muli %add3A_36, %mul3A_37 : i32
    %add3A_39 = arith.addi %mul3A_38, %mul3A_32 : i32
    "tpu.region"() ({
      %run_scoped3A = tpu.sem_alloc : memref<!tpu.dma_semaphore, #tpu.memory_space<semaphore_mem>>
      %dma_start3A_305 = tpu.memref_slice %arg2[%add3A_39] : memref<196608xf32, #tpu.memory_space<hbm>> -> memref<2048xf32, #tpu.memory_space<hbm>>
      %dma_start3A_306 = tpu.memref_slice %arg2[%add3A_39] : memref<196608xf32, #tpu.memory_space<hbm>> -> memref<2048xf32, #tpu.memory_space<hbm>>
      tpu.enqueue_dma source(%dma_start3A_306 : memref<2048xf32, #tpu.memory_space<hbm>>) target(%arg8 : memref<2048xf32, #tpu.memory_space<vmem>>) target_semaphore(%run_scoped3A : memref<!tpu.dma_semaphore, #tpu.memory_space<semaphore_mem>>)
      %dma_wait3A_307 = tpu.memref_slice %arg2[%add3A_39] : memref<196608xf32, #tpu.memory_space<hbm>> -> memref<2048xf32, #tpu.memory_space<hbm>>
      %dma_wait3A_308 = tpu.memref_slice %arg2[%add3A_39] : memref<196608xf32, #tpu.memory_space<hbm>> -> memref<2048xf32, #tpu.memory_space<hbm>>
      tpu.wait_dma2 semaphore(%run_scoped3A : memref<!tpu.dma_semaphore, #tpu.memory_space<semaphore_mem>>) src(%dma_wait3A_308 : memref<2048xf32, #tpu.memory_space<hbm>>) dst(%arg8 : memref<2048xf32, #tpu.memory_space<vmem>>)
      tpu.yield
    }) : () -> ()
    %mul3A_40 = arith.constant 3 : i32
    %mul3A_41 = arith.muli %select_n3A, %mul3A_40 : i32
    %add3A_42 = arith.constant 1 : i32
    %add3A_43 = arith.addi %mul3A_41, %add3A_42 : i32
    %mul3A_44 = arith.constant 16384 : i32
    %mul3A_45 = arith.muli %add3A_43, %mul3A_44 : i32
    %add3A_46 = arith.addi %mul3A_45, %mul3A_32 : i32
    "tpu.region"() ({
      %run_scoped3A = tpu.sem_alloc : memref<!tpu.dma_semaphore, #tpu.memory_space<semaphore_mem>>
      %dma_start3A_305 = tpu.memref_slice %arg2[%add3A_46] : memref<196608xf32, #tpu.memory_space<hbm>> -> memref<2048xf32, #tpu.memory_space<hbm>>
      %dma_start3A_306 = tpu.memref_slice %arg2[%add3A_46] : memref<196608xf32, #tpu.memory_space<hbm>> -> memref<2048xf32, #tpu.memory_space<hbm>>
      tpu.enqueue_dma source(%dma_start3A_306 : memref<2048xf32, #tpu.memory_space<hbm>>) target(%arg9 : memref<2048xf32, #tpu.memory_space<vmem>>) target_semaphore(%run_scoped3A : memref<!tpu.dma_semaphore, #tpu.memory_space<semaphore_mem>>)
      %dma_wait3A_307 = tpu.memref_slice %arg2[%add3A_46] : memref<196608xf32, #tpu.memory_space<hbm>> -> memref<2048xf32, #tpu.memory_space<hbm>>
      %dma_wait3A_308 = tpu.memref_slice %arg2[%add3A_46] : memref<196608xf32, #tpu.memory_space<hbm>> -> memref<2048xf32, #tpu.memory_space<hbm>>
      tpu.wait_dma2 semaphore(%run_scoped3A : memref<!tpu.dma_semaphore, #tpu.memory_space<semaphore_mem>>) src(%dma_wait3A_308 : memref<2048xf32, #tpu.memory_space<hbm>>) dst(%arg9 : memref<2048xf32, #tpu.memory_space<vmem>>)
      tpu.yield
    }) : () -> ()
    %mul3A_47 = arith.constant 3 : i32
    %mul3A_48 = arith.muli %select_n3A, %mul3A_47 : i32
    %add3A_49 = arith.constant 2 : i32
    %add3A_50 = arith.addi %mul3A_48, %add3A_49 : i32
    %mul3A_51 = arith.constant 16384 : i32
    %mul3A_52 = arith.muli %add3A_50, %mul3A_51 : i32
    %add3A_53 = arith.addi %mul3A_52, %mul3A_32 : i32
    "tpu.region"() ({
      %run_scoped3A = tpu.sem_alloc : memref<!tpu.dma_semaphore, #tpu.memory_space<semaphore_mem>>
      %dma_start3A_305 = tpu.memref_slice %arg2[%add3A_53] : memref<196608xf32, #tpu.memory_space<hbm>> -> memref<2048xf32, #tpu.memory_space<hbm>>
      %dma_start3A_306 = tpu.memref_slice %arg2[%add3A_53] : memref<196608xf32, #tpu.memory_space<hbm>> -> memref<2048xf32, #tpu.memory_space<hbm>>
      tpu.enqueue_dma source(%dma_start3A_306 : memref<2048xf32, #tpu.memory_space<hbm>>) target(%arg10 : memref<2048xf32, #tpu.memory_space<vmem>>) target_semaphore(%run_scoped3A : memref<!tpu.dma_semaphore, #tpu.memory_space<semaphore_mem>>)
      %dma_wait3A_307 = tpu.memref_slice %arg2[%add3A_53] : memref<196608xf32, #tpu.memory_space<hbm>> -> memref<2048xf32, #tpu.memory_space<hbm>>
      %dma_wait3A_308 = tpu.memref_slice %arg2[%add3A_53] : memref<196608xf32, #tpu.memory_space<hbm>> -> memref<2048xf32, #tpu.memory_space<hbm>>
      tpu.wait_dma2 semaphore(%run_scoped3A : memref<!tpu.dma_semaphore, #tpu.memory_space<semaphore_mem>>) src(%dma_wait3A_308 : memref<2048xf32, #tpu.memory_space<hbm>>) dst(%arg10 : memref<2048xf32, #tpu.memory_space<vmem>>)
      tpu.yield
    }) : () -> ()
    %mul3A_54 = arith.constant 9 : i32
    %mul3A_55 = arith.muli %select_n3A, %mul3A_54 : i32
    %mul3A_56 = arith.constant 16 : i32
    %mul3A_57 = arith.muli %mul3A_55, %mul3A_56 : i32
    "tpu.region"() ({
      %run_scoped3A = tpu.sem_alloc : memref<!tpu.dma_semaphore, #tpu.memory_space<semaphore_mem>>
      %dma_start3A_305 = tpu.memref_slice %arg4[%mul3A_57] : memref<576xf32, #tpu.memory_space<hbm>> -> memref<144xf32, #tpu.memory_space<hbm>>
      %dma_start3A_306 = tpu.memref_slice %arg4[%mul3A_57] : memref<576xf32, #tpu.memory_space<hbm>> -> memref<144xf32, #tpu.memory_space<hbm>>
      tpu.enqueue_dma source(%dma_start3A_306 : memref<144xf32, #tpu.memory_space<hbm>>) target(%arg34 : memref<144xf32, #tpu.memory_space<vmem>>) target_semaphore(%run_scoped3A : memref<!tpu.dma_semaphore, #tpu.memory_space<semaphore_mem>>)
      %dma_wait3A_307 = tpu.memref_slice %arg4[%mul3A_57] : memref<576xf32, #tpu.memory_space<hbm>> -> memref<144xf32, #tpu.memory_space<hbm>>
      %dma_wait3A_308 = tpu.memref_slice %arg4[%mul3A_57] : memref<576xf32, #tpu.memory_space<hbm>> -> memref<144xf32, #tpu.memory_space<hbm>>
      tpu.wait_dma2 semaphore(%run_scoped3A : memref<!tpu.dma_semaphore, #tpu.memory_space<semaphore_mem>>) src(%dma_wait3A_308 : memref<144xf32, #tpu.memory_space<hbm>>) dst(%arg34 : memref<144xf32, #tpu.memory_space<vmem>>)
      tpu.yield
    }) : () -> ()
    %mul3A_58 = arith.constant 2097152 : i32
    %mul3A_59 = arith.muli %select_n3A, %mul3A_58 : i32
    %broadcast_in_dim3A = arith.constant 0.000000e+00 : f32
    %broadcast_in_dim3A_60 = vector.broadcast %broadcast_in_dim3A : f32 to vector<16xf32>
    %scan3A = arith.constant 0 : i32
    %scan3A_61 = arith.constant 0 : i32
    %scan3A_62 = arith.constant 64 : i32
    %scan3A_63 = arith.addi %scan3A_61, %scan3A_62 : i32
    %scan3A_64 = arith.constant 1 : i32
    %scan3A_65 = scf.for %scan3A_305 = %scan3A_61 to %scan3A_63 step %scan3A_64 iter_args(%scan3A_306 = %scan3A) -> (i32)  : i32 {
      %mul3A_307 = arith.constant 16 : i32
      %mul3A_308 = arith.muli %scan3A_305, %mul3A_307 : i32
      %get3A = arith.index_cast %mul3A_308 : i32 to index
      %get3A_309 = tpu.vector_load %arg8[%get3A] {strides = array<i32>} : memref<2048xf32, #tpu.memory_space<vmem>>, vector<16xf32>,
      %get3A_310 = vector.shape_cast %get3A_309 : vector<16xf32> to vector<16xf32>
      %get3A_311 = arith.constant 0 : index
      %get3A_312 = tpu.vector_load %arg34[%get3A_311] {strides = array<i32>} : memref<144xf32, #tpu.memory_space<vmem>>, vector<16xf32>,
      %get3A_313 = vector.shape_cast %get3A_312 : vector<16xf32> to vector<16xf32>
      %sub3A_314 = arith.subf %get3A_310, %get3A_313 : vector<16xf32>
      %get3A_315 = arith.constant 48 : index
      %get3A_316 = tpu.vector_load %arg34[%get3A_315] {strides = array<i32>} : memref<144xf32, #tpu.memory_space<vmem>>, vector<16xf32>,
      %get3A_317 = vector.shape_cast %get3A_316 : vector<16xf32> to vector<16xf32>
      %mul3A_318 = arith.mulf %sub3A_314, %get3A_317 : vector<16xf32>
      %get3A_319 = arith.constant 96 : index
      %get3A_320 = tpu.vector_load %arg34[%get3A_319] {strides = array<i32>} : memref<144xf32, #tpu.memory_space<vmem>>, vector<16xf32>,
      %get3A_321 = vector.shape_cast %get3A_320 : vector<16xf32> to vector<16xf32>
      %min3A = arith.minimumf %mul3A_318, %get3A_321 : vector<16xf32>
      %max3A = arith.constant 0.000000e+00 : f32
      %max3A_322 = vector.broadcast %max3A : f32 to vector<16xf32>
      %max3A_323 = arith.maximumf %min3A, %max3A_322 : vector<16xf32>
      %convert_element_type3A = arith.fptosi %max3A_323 : vector<16xf32> to vector<16xi32>
      %convert_element_type3A_324 = arith.sitofp %convert_element_type3A : vector<16xi32> to vector<16xf32>
      %sub3A_325 = arith.subf %max3A_323, %convert_element_type3A_324 : vector<16xf32>
      %swap3A_326 = arith.index_cast %mul3A_308 : i32 to index
      %swap3A_327 = tpu.vector_load %arg11[%swap3A_326] {strides = array<i32>} : memref<2048xf32, #tpu.memory_space<vmem>>, vector<16xf32>,
      %swap3A_328 = vector.shape_cast %swap3A_327 : vector<16xf32> to vector<16xf32>
      %swap3A_329 = vector.shape_cast %sub3A_325 : vector<16xf32> to vector<16xf32>
      tpu.vector_store %arg11[%swap3A_326], %swap3A_329 {strides = array<i32>} : memref<2048xf32, #tpu.memory_space<vmem>>, vector<16xf32>,
      %get3A_330 = arith.index_cast %mul3A_308 : i32 to index
      %get3A_331 = tpu.vector_load %arg9[%get3A_330] {strides = array<i32>} : memref<2048xf32, #tpu.memory_space<vmem>>, vector<16xf32>,
      %get3A_332 = vector.shape_cast %get3A_331 : vector<16xf32> to vector<16xf32>
      %get3A_333 = arith.constant 16 : index
      %get3A_334 = tpu.vector_load %arg34[%get3A_333] {strides = array<i32>} : memref<144xf32, #tpu.memory_space<vmem>>, vector<16xf32>,
      %get3A_335 = vector.shape_cast %get3A_334 : vector<16xf32> to vector<16xf32>
      %sub3A_336 = arith.subf %get3A_332, %get3A_335 : vector<16xf32>
      %get3A_337 = arith.constant 64 : index
      %get3A_338 = tpu.vector_load %arg34[%get3A_337] {strides = array<i32>} : memref<144xf32, #tpu.memory_space<vmem>>, vector<16xf32>,
      %get3A_339 = vector.shape_cast %get3A_338 : vector<16xf32> to vector<16xf32>
      %mul3A_340 = arith.mulf %sub3A_336, %get3A_339 : vector<16xf32>
      %get3A_341 = arith.constant 112 : index
      %get3A_342 = tpu.vector_load %arg34[%get3A_341] {strides = array<i32>} : memref<144xf32, #tpu.memory_space<vmem>>, vector<16xf32>,
      %get3A_343 = vector.shape_cast %get3A_342 : vector<16xf32> to vector<16xf32>
      %min3A_344 = arith.minimumf %mul3A_340, %get3A_343 : vector<16xf32>
      %max3A_345 = arith.constant 0.000000e+00 : f32
      %max3A_346 = vector.broadcast %max3A_345 : f32 to vector<16xf32>
      %max3A_347 = arith.maximumf %min3A_344, %max3A_346 : vector<16xf32>
      %convert_element_type3A_348 = arith.fptosi %max3A_347 : vector<16xf32> to vector<16xi32>
      %convert_element_type3A_349 = arith.sitofp %convert_element_type3A_348 : vector<16xi32> to vector<16xf32>
      %sub3A_350 = arith.subf %max3A_347, %convert_element_type3A_349 : vector<16xf32>
      %swap3A_351 = arith.index_cast %mul3A_308 : i32 to index
      %swap3A_352 = tpu.vector_load %arg12[%swap3A_351] {strides = array<i32>} : memref<2048xf32, #tpu.memory_space<vmem>>, vector<16xf32>,
      %swap3A_353 = vector.shape_cast %swap3A_352 : vector<16xf32> to vector<16xf32>
      %swap3A_354 = vector.shape_cast %sub3A_350 : vector<16xf32> to vector<16xf32>
      tpu.vector_store %arg12[%swap3A_351], %swap3A_354 {strides = array<i32>} : memref<2048xf32, #tpu.memory_space<vmem>>, vector<16xf32>,
      %get3A_355 = arith.index_cast %mul3A_308 : i32 to index
      %get3A_356 = tpu.vector_load %arg10[%get3A_355] {strides = array<i32>} : memref<2048xf32, #tpu.memory_space<vmem>>, vector<16xf32>,
      %get3A_357 = vector.shape_cast %get3A_356 : vector<16xf32> to vector<16xf32>
      %get3A_358 = arith.constant 32 : index
      %get3A_359 = tpu.vector_load %arg34[%get3A_358] {strides = array<i32>} : memref<144xf32, #tpu.memory_space<vmem>>, vector<16xf32>,
      %get3A_360 = vector.shape_cast %get3A_359 : vector<16xf32> to vector<16xf32>
      %sub3A_361 = arith.subf %get3A_357, %get3A_360 : vector<16xf32>
      %get3A_362 = arith.constant 80 : index
      %get3A_363 = tpu.vector_load %arg34[%get3A_362] {strides = array<i32>} : memref<144xf32, #tpu.memory_space<vmem>>, vector<16xf32>,
      %get3A_364 = vector.shape_cast %get3A_363 : vector<16xf32> to vector<16xf32>
      %mul3A_365 = arith.mulf %sub3A_361, %get3A_364 : vector<16xf32>
      %get3A_366 = arith.constant 128 : index
      %get3A_367 = tpu.vector_load %arg34[%get3A_366] {strides = array<i32>} : memref<144xf32, #tpu.memory_space<vmem>>, vector<16xf32>,
      %get3A_368 = vector.shape_cast %get3A_367 : vector<16xf32> to vector<16xf32>
      %min3A_369 = arith.minimumf %mul3A_365, %get3A_368 : vector<16xf32>
      %max3A_370 = arith.constant 0.000000e+00 : f32
      %max3A_371 = vector.broadcast %max3A_370 : f32 to vector<16xf32>
      %max3A_372 = arith.maximumf %min3A_369, %max3A_371 : vector<16xf32>
      %convert_element_type3A_373 = arith.fptosi %max3A_372 : vector<16xf32> to vector<16xi32>
      %convert_element_type3A_374 = arith.sitofp %convert_element_type3A_373 : vector<16xi32> to vector<16xf32>
      %sub3A_375 = arith.subf %max3A_372, %convert_element_type3A_374 : vector<16xf32>
      %swap3A_376 = arith.index_cast %mul3A_308 : i32 to index
      %swap3A_377 = tpu.vector_load %arg13[%swap3A_376] {strides = array<i32>} : memref<2048xf32, #tpu.memory_space<vmem>>, vector<16xf32>,
      %swap3A_378 = vector.shape_cast %swap3A_377 : vector<16xf32> to vector<16xf32>
      %swap3A_379 = vector.shape_cast %sub3A_375 : vector<16xf32> to vector<16xf32>
      tpu.vector_store %arg13[%swap3A_376], %swap3A_379 {strides = array<i32>} : memref<2048xf32, #tpu.memory_space<vmem>>, vector<16xf32>,
      %mul3A_380 = arith.constant 128 : i32
      %mul3A_381 = vector.broadcast %mul3A_380 : i32 to vector<16xi32>
      %mul3A_382 = arith.muli %convert_element_type3A, %mul3A_381 : vector<16xi32>
      %add3A_383 = arith.addi %mul3A_382, %convert_element_type3A_348 : vector<16xi32>
      %mul3A_384 = arith.constant 128 : i32
      %mul3A_385 = vector.broadcast %mul3A_384 : i32 to vector<16xi32>
      %mul3A_386 = arith.muli %add3A_383, %mul3A_385 : vector<16xi32>
      %add3A_387 = arith.addi %mul3A_386, %convert_element_type3A_373 : vector<16xi32>
      %add3A_388 = vector.broadcast %mul3A_59 : i32 to vector<16xi32>
      %add3A_389 = arith.addi %add3A_387, %add3A_388 : vector<16xi32>
      %add3A_390 = arith.constant 0 : i32
      %add3A_391 = vector.broadcast %add3A_390 : i32 to vector<16xi32>
      %add3A_392 = arith.addi %add3A_389, %add3A_391 : vector<16xi32>
      %swap3A_393 = arith.index_cast %mul3A_308 : i32 to index
      %swap3A_394 = tpu.vector_load %arg14[%swap3A_393] {strides = array<i32>} : memref<2048xi32, #tpu.memory_space<vmem>>, vector<16xi32>,
      %swap3A_395 = vector.shape_cast %swap3A_394 : vector<16xi32> to vector<16xi32>
      %swap3A_396 = vector.shape_cast %add3A_392 : vector<16xi32> to vector<16xi32>
      tpu.vector_store %arg14[%swap3A_393], %swap3A_396 {strides = array<i32>} : memref<2048xi32, #tpu.memory_space<vmem>>, vector<16xi32>,
      %add3A_397 = arith.constant 1 : i32
      %add3A_398 = vector.broadcast %add3A_397 : i32 to vector<16xi32>
      %add3A_399 = arith.addi %add3A_389, %add3A_398 : vector<16xi32>
      %swap3A_400 = arith.index_cast %mul3A_308 : i32 to index
      %swap3A_401 = tpu.vector_load %arg15[%swap3A_400] {strides = array<i32>} : memref<2048xi32, #tpu.memory_space<vmem>>, vector<16xi32>,
      %swap3A_402 = vector.shape_cast %swap3A_401 : vector<16xi32> to vector<16xi32>
      %swap3A_403 = vector.shape_cast %add3A_399 : vector<16xi32> to vector<16xi32>
      tpu.vector_store %arg15[%swap3A_400], %swap3A_403 {strides = array<i32>} : memref<2048xi32, #tpu.memory_space<vmem>>, vector<16xi32>,
      %add3A_404 = arith.constant 128 : i32
      %add3A_405 = vector.broadcast %add3A_404 : i32 to vector<16xi32>
      %add3A_406 = arith.addi %add3A_389, %add3A_405 : vector<16xi32>
      %swap3A_407 = arith.index_cast %mul3A_308 : i32 to index
      %swap3A_408 = tpu.vector_load %arg16[%swap3A_407] {strides = array<i32>} : memref<2048xi32, #tpu.memory_space<vmem>>, vector<16xi32>,
      %swap3A_409 = vector.shape_cast %swap3A_408 : vector<16xi32> to vector<16xi32>
      %swap3A_410 = vector.shape_cast %add3A_406 : vector<16xi32> to vector<16xi32>
      tpu.vector_store %arg16[%swap3A_407], %swap3A_410 {strides = array<i32>} : memref<2048xi32, #tpu.memory_space<vmem>>, vector<16xi32>,
      %add3A_411 = arith.constant 129 : i32
      %add3A_412 = vector.broadcast %add3A_411 : i32 to vector<16xi32>
      %add3A_413 = arith.addi %add3A_389, %add3A_412 : vector<16xi32>
      %swap3A_414 = arith.index_cast %mul3A_308 : i32 to index
      %swap3A_415 = tpu.vector_load %arg17[%swap3A_414] {strides = array<i32>} : memref<2048xi32, #tpu.memory_space<vmem>>, vector<16xi32>,
      %swap3A_416 = vector.shape_cast %swap3A_415 : vector<16xi32> to vector<16xi32>
      %swap3A_417 = vector.shape_cast %add3A_413 : vector<16xi32> to vector<16xi32>
      tpu.vector_store %arg17[%swap3A_414], %swap3A_417 {strides = array<i32>} : memref<2048xi32, #tpu.memory_space<vmem>>, vector<16xi32>,
      %add3A_418 = arith.constant 16384 : i32
      %add3A_419 = vector.broadcast %add3A_418 : i32 to vector<16xi32>
      %add3A_420 = arith.addi %add3A_389, %add3A_419 : vector<16xi32>
      %swap3A_421 = arith.index_cast %mul3A_308 : i32 to index
      %swap3A_422 = tpu.vector_load %arg18[%swap3A_421] {strides = array<i32>} : memref<2048xi32, #tpu.memory_space<vmem>>, vector<16xi32>,
      %swap3A_423 = vector.shape_cast %swap3A_422 : vector<16xi32> to vector<16xi32>
      %swap3A_424 = vector.shape_cast %add3A_420 : vector<16xi32> to vector<16xi32>
      tpu.vector_store %arg18[%swap3A_421], %swap3A_424 {strides = array<i32>} : memref<2048xi32, #tpu.memory_space<vmem>>, vector<16xi32>,
      %add3A_425 = arith.constant 16385 : i32
      %add3A_426 = vector.broadcast %add3A_425 : i32 to vector<16xi32>
      %add3A_427 = arith.addi %add3A_389, %add3A_426 : vector<16xi32>
      %swap3A_428 = arith.index_cast %mul3A_308 : i32 to index
      %swap3A_429 = tpu.vector_load %arg19[%swap3A_428] {strides = array<i32>} : memref<2048xi32, #tpu.memory_space<vmem>>, vector<16xi32>,
      %swap3A_430 = vector.shape_cast %swap3A_429 : vector<16xi32> to vector<16xi32>
      %swap3A_431 = vector.shape_cast %add3A_427 : vector<16xi32> to vector<16xi32>
      tpu.vector_store %arg19[%swap3A_428], %swap3A_431 {strides = array<i32>} : memref<2048xi32, #tpu.memory_space<vmem>>, vector<16xi32>,
      %add3A_432 = arith.constant 16512 : i32
      %add3A_433 = vector.broadcast %add3A_432 : i32 to vector<16xi32>
      %add3A_434 = arith.addi %add3A_389, %add3A_433 : vector<16xi32>
      %swap3A_435 = arith.index_cast %mul3A_308 : i32 to index
      %swap3A_436 = tpu.vector_load %arg20[%swap3A_435] {strides = array<i32>} : memref<2048xi32, #tpu.memory_space<vmem>>, vector<16xi32>,
      %swap3A_437 = vector.shape_cast %swap3A_436 : vector<16xi32> to vector<16xi32>
      %swap3A_438 = vector.shape_cast %add3A_434 : vector<16xi32> to vector<16xi32>
      tpu.vector_store %arg20[%swap3A_435], %swap3A_438 {strides = array<i32>} : memref<2048xi32, #tpu.memory_space<vmem>>, vector<16xi32>,
      %add3A_439 = arith.constant 16513 : i32
      %add3A_440 = vector.broadcast %add3A_439 : i32 to vector<16xi32>
      %add3A_441 = arith.addi %add3A_389, %add3A_440 : vector<16xi32>
      %swap3A_442 = arith.index_cast %mul3A_308 : i32 to index
      %swap3A_443 = tpu.vector_load %arg21[%swap3A_442] {strides = array<i32>} : memref<2048xi32, #tpu.memory_space<vmem>>, vector<16xi32>,
      %swap3A_444 = vector.shape_cast %swap3A_443 : vector<16xi32> to vector<16xi32>
      %swap3A_445 = vector.shape_cast %add3A_441 : vector<16xi32> to vector<16xi32>
      tpu.vector_store %arg21[%swap3A_442], %swap3A_445 {strides = array<i32>} : memref<2048xi32, #tpu.memory_space<vmem>>, vector<16xi32>,
      %scan3A_446 = arith.constant 0 : i32
      scf.yield %scan3A_446 : i32
    }
    %scan3A_66 = arith.constant 64 : i32
    %dma_start3A = arith.constant 0 : i32
    %dma_start3A_67 = tpu.memref_slice %arg22[%dma_start3A] : memref<2048xf32, #tpu.memory_space<vmem>> -> memref<1024xf32, #tpu.memory_space<vmem>>
    %dma_start3A_68 = arith.constant 0 : i32
    %dma_start3A_69 = tpu.memref_slice %arg14[%dma_start3A_68] : memref<2048xi32, #tpu.memory_space<vmem>> -> memref<1024xi32, #tpu.memory_space<vmem>>
    %dma_start3A_70 = arith.constant 0 : i32
    %dma_start3A_71 = tpu.memref_slice %arg3[%dma_start3A_70] : memref<8388608xf32, #tpu.memory_space<hbm>> -> memref<8388608xf32, #tpu.memory_space<hbm>>
    tpu.enqueue_indirect_dma source(%dma_start3A_71 : memref<8388608xf32, #tpu.memory_space<hbm>>) target(%dma_start3A_67 : memref<1024xf32, #tpu.memory_space<vmem>>) offsets(%dma_start3A_69 : memref<1024xi32, #tpu.memory_space<vmem>>) semaphore(%arg36 : memref<!tpu.dma_semaphore, #tpu.memory_space<semaphore_mem>>)
    %dma_start3A_72 = arith.constant 0 : i32
    %dma_start3A_73 = tpu.memref_slice %arg23[%dma_start3A_72] : memref<2048xf32, #tpu.memory_space<vmem>> -> memref<1024xf32, #tpu.memory_space<vmem>>
    %dma_start3A_74 = arith.constant 0 : i32
    %dma_start3A_75 = tpu.memref_slice %arg15[%dma_start3A_74] : memref<2048xi32, #tpu.memory_space<vmem>> -> memref<1024xi32, #tpu.memory_space<vmem>>
    %dma_start3A_76 = arith.constant 0 : i32
    %dma_start3A_77 = tpu.memref_slice %arg3[%dma_start3A_76] : memref<8388608xf32, #tpu.memory_space<hbm>> -> memref<8388608xf32, #tpu.memory_space<hbm>>
    tpu.enqueue_indirect_dma source(%dma_start3A_77 : memref<8388608xf32, #tpu.memory_space<hbm>>) target(%dma_start3A_73 : memref<1024xf32, #tpu.memory_space<vmem>>) offsets(%dma_start3A_75 : memref<1024xi32, #tpu.memory_space<vmem>>) semaphore(%arg36 : memref<!tpu.dma_semaphore, #tpu.memory_space<semaphore_mem>>)
    %dma_start3A_78 = arith.constant 0 : i32
    %dma_start3A_79 = tpu.memref_slice %arg24[%dma_start3A_78] : memref<2048xf32, #tpu.memory_space<vmem>> -> memref<1024xf32, #tpu.memory_space<vmem>>
    %dma_start3A_80 = arith.constant 0 : i32
    %dma_start3A_81 = tpu.memref_slice %arg16[%dma_start3A_80] : memref<2048xi32, #tpu.memory_space<vmem>> -> memref<1024xi32, #tpu.memory_space<vmem>>
    %dma_start3A_82 = arith.constant 0 : i32
    %dma_start3A_83 = tpu.memref_slice %arg3[%dma_start3A_82] : memref<8388608xf32, #tpu.memory_space<hbm>> -> memref<8388608xf32, #tpu.memory_space<hbm>>
    tpu.enqueue_indirect_dma source(%dma_start3A_83 : memref<8388608xf32, #tpu.memory_space<hbm>>) target(%dma_start3A_79 : memref<1024xf32, #tpu.memory_space<vmem>>) offsets(%dma_start3A_81 : memref<1024xi32, #tpu.memory_space<vmem>>) semaphore(%arg36 : memref<!tpu.dma_semaphore, #tpu.memory_space<semaphore_mem>>)
    %dma_start3A_84 = arith.constant 0 : i32
    %dma_start3A_85 = tpu.memref_slice %arg25[%dma_start3A_84] : memref<2048xf32, #tpu.memory_space<vmem>> -> memref<1024xf32, #tpu.memory_space<vmem>>
    %dma_start3A_86 = arith.constant 0 : i32
    %dma_start3A_87 = tpu.memref_slice %arg17[%dma_start3A_86] : memref<2048xi32, #tpu.memory_space<vmem>> -> memref<1024xi32, #tpu.memory_space<vmem>>
    %dma_start3A_88 = arith.constant 0 : i32
    %dma_start3A_89 = tpu.memref_slice %arg3[%dma_start3A_88] : memref<8388608xf32, #tpu.memory_space<hbm>> -> memref<8388608xf32, #tpu.memory_space<hbm>>
    tpu.enqueue_indirect_dma source(%dma_start3A_89 : memref<8388608xf32, #tpu.memory_space<hbm>>) target(%dma_start3A_85 : memref<1024xf32, #tpu.memory_space<vmem>>) offsets(%dma_start3A_87 : memref<1024xi32, #tpu.memory_space<vmem>>) semaphore(%arg36 : memref<!tpu.dma_semaphore, #tpu.memory_space<semaphore_mem>>)
    %dma_start3A_90 = arith.constant 0 : i32
    %dma_start3A_91 = tpu.memref_slice %arg26[%dma_start3A_90] : memref<2048xf32, #tpu.memory_space<vmem>> -> memref<1024xf32, #tpu.memory_space<vmem>>
    %dma_start3A_92 = arith.constant 0 : i32
    %dma_start3A_93 = tpu.memref_slice %arg18[%dma_start3A_92] : memref<2048xi32, #tpu.memory_space<vmem>> -> memref<1024xi32, #tpu.memory_space<vmem>>
    %dma_start3A_94 = arith.constant 0 : i32
    %dma_start3A_95 = tpu.memref_slice %arg3[%dma_start3A_94] : memref<8388608xf32, #tpu.memory_space<hbm>> -> memref<8388608xf32, #tpu.memory_space<hbm>>
    tpu.enqueue_indirect_dma source(%dma_start3A_95 : memref<8388608xf32, #tpu.memory_space<hbm>>) target(%dma_start3A_91 : memref<1024xf32, #tpu.memory_space<vmem>>) offsets(%dma_start3A_93 : memref<1024xi32, #tpu.memory_space<vmem>>) semaphore(%arg36 : memref<!tpu.dma_semaphore, #tpu.memory_space<semaphore_mem>>)
    %dma_start3A_96 = arith.constant 0 : i32
    %dma_start3A_97 = tpu.memref_slice %arg27[%dma_start3A_96] : memref<2048xf32, #tpu.memory_space<vmem>> -> memref<1024xf32, #tpu.memory_space<vmem>>
    %dma_start3A_98 = arith.constant 0 : i32
    %dma_start3A_99 = tpu.memref_slice %arg19[%dma_start3A_98] : memref<2048xi32, #tpu.memory_space<vmem>> -> memref<1024xi32, #tpu.memory_space<vmem>>
    %dma_start3A_100 = arith.constant 0 : i32
    %dma_start3A_101 = tpu.memref_slice %arg3[%dma_start3A_100] : memref<8388608xf32, #tpu.memory_space<hbm>> -> memref<8388608xf32, #tpu.memory_space<hbm>>
    tpu.enqueue_indirect_dma source(%dma_start3A_101 : memref<8388608xf32, #tpu.memory_space<hbm>>) target(%dma_start3A_97 : memref<1024xf32, #tpu.memory_space<vmem>>) offsets(%dma_start3A_99 : memref<1024xi32, #tpu.memory_space<vmem>>) semaphore(%arg36 : memref<!tpu.dma_semaphore, #tpu.memory_space<semaphore_mem>>)
    %dma_start3A_102 = arith.constant 0 : i32
    %dma_start3A_103 = tpu.memref_slice %arg28[%dma_start3A_102] : memref<2048xf32, #tpu.memory_space<vmem>> -> memref<1024xf32, #tpu.memory_space<vmem>>
    %dma_start3A_104 = arith.constant 0 : i32
    %dma_start3A_105 = tpu.memref_slice %arg20[%dma_start3A_104] : memref<2048xi32, #tpu.memory_space<vmem>> -> memref<1024xi32, #tpu.memory_space<vmem>>
    %dma_start3A_106 = arith.constant 0 : i32
    %dma_start3A_107 = tpu.memref_slice %arg3[%dma_start3A_106] : memref<8388608xf32, #tpu.memory_space<hbm>> -> memref<8388608xf32, #tpu.memory_space<hbm>>
    tpu.enqueue_indirect_dma source(%dma_start3A_107 : memref<8388608xf32, #tpu.memory_space<hbm>>) target(%dma_start3A_103 : memref<1024xf32, #tpu.memory_space<vmem>>) offsets(%dma_start3A_105 : memref<1024xi32, #tpu.memory_space<vmem>>) semaphore(%arg36 : memref<!tpu.dma_semaphore, #tpu.memory_space<semaphore_mem>>)
    %dma_start3A_108 = arith.constant 0 : i32
    %dma_start3A_109 = tpu.memref_slice %arg29[%dma_start3A_108] : memref<2048xf32, #tpu.memory_space<vmem>> -> memref<1024xf32, #tpu.memory_space<vmem>>
    %dma_start3A_110 = arith.constant 0 : i32
    %dma_start3A_111 = tpu.memref_slice %arg21[%dma_start3A_110] : memref<2048xi32, #tpu.memory_space<vmem>> -> memref<1024xi32, #tpu.memory_space<vmem>>
    %dma_start3A_112 = arith.constant 0 : i32
    %dma_start3A_113 = tpu.memref_slice %arg3[%dma_start3A_112] : memref<8388608xf32, #tpu.memory_space<hbm>> -> memref<8388608xf32, #tpu.memory_space<hbm>>
    tpu.enqueue_indirect_dma source(%dma_start3A_113 : memref<8388608xf32, #tpu.memory_space<hbm>>) target(%dma_start3A_109 : memref<1024xf32, #tpu.memory_space<vmem>>) offsets(%dma_start3A_111 : memref<1024xi32, #tpu.memory_space<vmem>>) semaphore(%arg36 : memref<!tpu.dma_semaphore, #tpu.memory_space<semaphore_mem>>)
    %scan3A_114 = arith.constant 0 : i32
    %scan3A_115 = arith.constant 64 : i32
    %scan3A_116 = arith.constant 64 : i32
    %scan3A_117 = arith.addi %scan3A_115, %scan3A_116 : i32
    %scan3A_118 = arith.constant 1 : i32
    %scan3A_119 = scf.for %scan3A_305 = %scan3A_115 to %scan3A_117 step %scan3A_118 iter_args(%scan3A_306 = %scan3A_114) -> (i32)  : i32 {
      %mul3A_307 = arith.constant 16 : i32
      %mul3A_308 = arith.muli %scan3A_305, %mul3A_307 : i32
      %get3A = arith.index_cast %mul3A_308 : i32 to index
      %get3A_309 = tpu.vector_load %arg8[%get3A] {strides = array<i32>} : memref<2048xf32, #tpu.memory_space<vmem>>, vector<16xf32>,
      %get3A_310 = vector.shape_cast %get3A_309 : vector<16xf32> to vector<16xf32>
      %get3A_311 = arith.constant 0 : index
      %get3A_312 = tpu.vector_load %arg34[%get3A_311] {strides = array<i32>} : memref<144xf32, #tpu.memory_space<vmem>>, vector<16xf32>,
      %get3A_313 = vector.shape_cast %get3A_312 : vector<16xf32> to vector<16xf32>
      %sub3A_314 = arith.subf %get3A_310, %get3A_313 : vector<16xf32>
      %get3A_315 = arith.constant 48 : index
      %get3A_316 = tpu.vector_load %arg34[%get3A_315] {strides = array<i32>} : memref<144xf32, #tpu.memory_space<vmem>>, vector<16xf32>,
      %get3A_317 = vector.shape_cast %get3A_316 : vector<16xf32> to vector<16xf32>
      %mul3A_318 = arith.mulf %sub3A_314, %get3A_317 : vector<16xf32>
      %get3A_319 = arith.constant 96 : index
      %get3A_320 = tpu.vector_load %arg34[%get3A_319] {strides = array<i32>} : memref<144xf32, #tpu.memory_space<vmem>>, vector<16xf32>,
      %get3A_321 = vector.shape_cast %get3A_320 : vector<16xf32> to vector<16xf32>
      %min3A = arith.minimumf %mul3A_318, %get3A_321 : vector<16xf32>
      %max3A = arith.constant 0.000000e+00 : f32
      %max3A_322 = vector.broadcast %max3A : f32 to vector<16xf32>
      %max3A_323 = arith.maximumf %min3A, %max3A_322 : vector<16xf32>
      %convert_element_type3A = arith.fptosi %max3A_323 : vector<16xf32> to vector<16xi32>
      %convert_element_type3A_324 = arith.sitofp %convert_element_type3A : vector<16xi32> to vector<16xf32>
      %sub3A_325 = arith.subf %max3A_323, %convert_element_type3A_324 : vector<16xf32>
      %swap3A_326 = arith.index_cast %mul3A_308 : i32 to index
      %swap3A_327 = tpu.vector_load %arg11[%swap3A_326] {strides = array<i32>} : memref<2048xf32, #tpu.memory_space<vmem>>, vector<16xf32>,
      %swap3A_328 = vector.shape_cast %swap3A_327 : vector<16xf32> to vector<16xf32>
      %swap3A_329 = vector.shape_cast %sub3A_325 : vector<16xf32> to vector<16xf32>
      tpu.vector_store %arg11[%swap3A_326], %swap3A_329 {strides = array<i32>} : memref<2048xf32, #tpu.memory_space<vmem>>, vector<16xf32>,
      %get3A_330 = arith.index_cast %mul3A_308 : i32 to index
      %get3A_331 = tpu.vector_load %arg9[%get3A_330] {strides = array<i32>} : memref<2048xf32, #tpu.memory_space<vmem>>, vector<16xf32>,
      %get3A_332 = vector.shape_cast %get3A_331 : vector<16xf32> to vector<16xf32>
      %get3A_333 = arith.constant 16 : index
      %get3A_334 = tpu.vector_load %arg34[%get3A_333] {strides = array<i32>} : memref<144xf32, #tpu.memory_space<vmem>>, vector<16xf32>,
      %get3A_335 = vector.shape_cast %get3A_334 : vector<16xf32> to vector<16xf32>
      %sub3A_336 = arith.subf %get3A_332, %get3A_335 : vector<16xf32>
      %get3A_337 = arith.constant 64 : index
      %get3A_338 = tpu.vector_load %arg34[%get3A_337] {strides = array<i32>} : memref<144xf32, #tpu.memory_space<vmem>>, vector<16xf32>,
      %get3A_339 = vector.shape_cast %get3A_338 : vector<16xf32> to vector<16xf32>
      %mul3A_340 = arith.mulf %sub3A_336, %get3A_339 : vector<16xf32>
      %get3A_341 = arith.constant 112 : index
      %get3A_342 = tpu.vector_load %arg34[%get3A_341] {strides = array<i32>} : memref<144xf32, #tpu.memory_space<vmem>>, vector<16xf32>,
      %get3A_343 = vector.shape_cast %get3A_342 : vector<16xf32> to vector<16xf32>
      %min3A_344 = arith.minimumf %mul3A_340, %get3A_343 : vector<16xf32>
      %max3A_345 = arith.constant 0.000000e+00 : f32
      %max3A_346 = vector.broadcast %max3A_345 : f32 to vector<16xf32>
      %max3A_347 = arith.maximumf %min3A_344, %max3A_346 : vector<16xf32>
      %convert_element_type3A_348 = arith.fptosi %max3A_347 : vector<16xf32> to vector<16xi32>
      %convert_element_type3A_349 = arith.sitofp %convert_element_type3A_348 : vector<16xi32> to vector<16xf32>
      %sub3A_350 = arith.subf %max3A_347, %convert_element_type3A_349 : vector<16xf32>
      %swap3A_351 = arith.index_cast %mul3A_308 : i32 to index
      %swap3A_352 = tpu.vector_load %arg12[%swap3A_351] {strides = array<i32>} : memref<2048xf32, #tpu.memory_space<vmem>>, vector<16xf32>,
      %swap3A_353 = vector.shape_cast %swap3A_352 : vector<16xf32> to vector<16xf32>
      %swap3A_354 = vector.shape_cast %sub3A_350 : vector<16xf32> to vector<16xf32>
      tpu.vector_store %arg12[%swap3A_351], %swap3A_354 {strides = array<i32>} : memref<2048xf32, #tpu.memory_space<vmem>>, vector<16xf32>,
      %get3A_355 = arith.index_cast %mul3A_308 : i32 to index
      %get3A_356 = tpu.vector_load %arg10[%get3A_355] {strides = array<i32>} : memref<2048xf32, #tpu.memory_space<vmem>>, vector<16xf32>,
      %get3A_357 = vector.shape_cast %get3A_356 : vector<16xf32> to vector<16xf32>
      %get3A_358 = arith.constant 32 : index
      %get3A_359 = tpu.vector_load %arg34[%get3A_358] {strides = array<i32>} : memref<144xf32, #tpu.memory_space<vmem>>, vector<16xf32>,
      %get3A_360 = vector.shape_cast %get3A_359 : vector<16xf32> to vector<16xf32>
      %sub3A_361 = arith.subf %get3A_357, %get3A_360 : vector<16xf32>
      %get3A_362 = arith.constant 80 : index
      %get3A_363 = tpu.vector_load %arg34[%get3A_362] {strides = array<i32>} : memref<144xf32, #tpu.memory_space<vmem>>, vector<16xf32>,
      %get3A_364 = vector.shape_cast %get3A_363 : vector<16xf32> to vector<16xf32>
      %mul3A_365 = arith.mulf %sub3A_361, %get3A_364 : vector<16xf32>
      %get3A_366 = arith.constant 128 : index
      %get3A_367 = tpu.vector_load %arg34[%get3A_366] {strides = array<i32>} : memref<144xf32, #tpu.memory_space<vmem>>, vector<16xf32>,
      %get3A_368 = vector.shape_cast %get3A_367 : vector<16xf32> to vector<16xf32>
      %min3A_369 = arith.minimumf %mul3A_365, %get3A_368 : vector<16xf32>
      %max3A_370 = arith.constant 0.000000e+00 : f32
      %max3A_371 = vector.broadcast %max3A_370 : f32 to vector<16xf32>
      %max3A_372 = arith.maximumf %min3A_369, %max3A_371 : vector<16xf32>
      %convert_element_type3A_373 = arith.fptosi %max3A_372 : vector<16xf32> to vector<16xi32>
      %convert_element_type3A_374 = arith.sitofp %convert_element_type3A_373 : vector<16xi32> to vector<16xf32>
      %sub3A_375 = arith.subf %max3A_372, %convert_element_type3A_374 : vector<16xf32>
      %swap3A_376 = arith.index_cast %mul3A_308 : i32 to index
      %swap3A_377 = tpu.vector_load %arg13[%swap3A_376] {strides = array<i32>} : memref<2048xf32, #tpu.memory_space<vmem>>, vector<16xf32>,
      %swap3A_378 = vector.shape_cast %swap3A_377 : vector<16xf32> to vector<16xf32>
      %swap3A_379 = vector.shape_cast %sub3A_375 : vector<16xf32> to vector<16xf32>
      tpu.vector_store %arg13[%swap3A_376], %swap3A_379 {strides = array<i32>} : memref<2048xf32, #tpu.memory_space<vmem>>, vector<16xf32>,
      %mul3A_380 = arith.constant 128 : i32
      %mul3A_381 = vector.broadcast %mul3A_380 : i32 to vector<16xi32>
      %mul3A_382 = arith.muli %convert_element_type3A, %mul3A_381 : vector<16xi32>
      %add3A_383 = arith.addi %mul3A_382, %convert_element_type3A_348 : vector<16xi32>
      %mul3A_384 = arith.constant 128 : i32
      %mul3A_385 = vector.broadcast %mul3A_384 : i32 to vector<16xi32>
      %mul3A_386 = arith.muli %add3A_383, %mul3A_385 : vector<16xi32>
      %add3A_387 = arith.addi %mul3A_386, %convert_element_type3A_373 : vector<16xi32>
      %add3A_388 = vector.broadcast %mul3A_59 : i32 to vector<16xi32>
      %add3A_389 = arith.addi %add3A_387, %add3A_388 : vector<16xi32>
      %add3A_390 = arith.constant 0 : i32
      %add3A_391 = vector.broadcast %add3A_390 : i32 to vector<16xi32>
      %add3A_392 = arith.addi %add3A_389, %add3A_391 : vector<16xi32>
      %swap3A_393 = arith.index_cast %mul3A_308 : i32 to index
      %swap3A_394 = tpu.vector_load %arg14[%swap3A_393] {strides = array<i32>} : memref<2048xi32, #tpu.memory_space<vmem>>, vector<16xi32>,
      %swap3A_395 = vector.shape_cast %swap3A_394 : vector<16xi32> to vector<16xi32>
      %swap3A_396 = vector.shape_cast %add3A_392 : vector<16xi32> to vector<16xi32>
      tpu.vector_store %arg14[%swap3A_393], %swap3A_396 {strides = array<i32>} : memref<2048xi32, #tpu.memory_space<vmem>>, vector<16xi32>,
      %add3A_397 = arith.constant 1 : i32
      %add3A_398 = vector.broadcast %add3A_397 : i32 to vector<16xi32>
      %add3A_399 = arith.addi %add3A_389, %add3A_398 : vector<16xi32>
      %swap3A_400 = arith.index_cast %mul3A_308 : i32 to index
      %swap3A_401 = tpu.vector_load %arg15[%swap3A_400] {strides = array<i32>} : memref<2048xi32, #tpu.memory_space<vmem>>, vector<16xi32>,
      %swap3A_402 = vector.shape_cast %swap3A_401 : vector<16xi32> to vector<16xi32>
      %swap3A_403 = vector.shape_cast %add3A_399 : vector<16xi32> to vector<16xi32>
      tpu.vector_store %arg15[%swap3A_400], %swap3A_403 {strides = array<i32>} : memref<2048xi32, #tpu.memory_space<vmem>>, vector<16xi32>,
      %add3A_404 = arith.constant 128 : i32
      %add3A_405 = vector.broadcast %add3A_404 : i32 to vector<16xi32>
      %add3A_406 = arith.addi %add3A_389, %add3A_405 : vector<16xi32>
      %swap3A_407 = arith.index_cast %mul3A_308 : i32 to index
      %swap3A_408 = tpu.vector_load %arg16[%swap3A_407] {strides = array<i32>} : memref<2048xi32, #tpu.memory_space<vmem>>, vector<16xi32>,
      %swap3A_409 = vector.shape_cast %swap3A_408 : vector<16xi32> to vector<16xi32>
      %swap3A_410 = vector.shape_cast %add3A_406 : vector<16xi32> to vector<16xi32>
      tpu.vector_store %arg16[%swap3A_407], %swap3A_410 {strides = array<i32>} : memref<2048xi32, #tpu.memory_space<vmem>>, vector<16xi32>,
      %add3A_411 = arith.constant 129 : i32
      %add3A_412 = vector.broadcast %add3A_411 : i32 to vector<16xi32>
      %add3A_413 = arith.addi %add3A_389, %add3A_412 : vector<16xi32>
      %swap3A_414 = arith.index_cast %mul3A_308 : i32 to index
      %swap3A_415 = tpu.vector_load %arg17[%swap3A_414] {strides = array<i32>} : memref<2048xi32, #tpu.memory_space<vmem>>, vector<16xi32>,
      %swap3A_416 = vector.shape_cast %swap3A_415 : vector<16xi32> to vector<16xi32>
      %swap3A_417 = vector.shape_cast %add3A_413 : vector<16xi32> to vector<16xi32>
      tpu.vector_store %arg17[%swap3A_414], %swap3A_417 {strides = array<i32>} : memref<2048xi32, #tpu.memory_space<vmem>>, vector<16xi32>,
      %add3A_418 = arith.constant 16384 : i32
      %add3A_419 = vector.broadcast %add3A_418 : i32 to vector<16xi32>
      %add3A_420 = arith.addi %add3A_389, %add3A_419 : vector<16xi32>
      %swap3A_421 = arith.index_cast %mul3A_308 : i32 to index
      %swap3A_422 = tpu.vector_load %arg18[%swap3A_421] {strides = array<i32>} : memref<2048xi32, #tpu.memory_space<vmem>>, vector<16xi32>,
      %swap3A_423 = vector.shape_cast %swap3A_422 : vector<16xi32> to vector<16xi32>
      %swap3A_424 = vector.shape_cast %add3A_420 : vector<16xi32> to vector<16xi32>
      tpu.vector_store %arg18[%swap3A_421], %swap3A_424 {strides = array<i32>} : memref<2048xi32, #tpu.memory_space<vmem>>, vector<16xi32>,
      %add3A_425 = arith.constant 16385 : i32
      %add3A_426 = vector.broadcast %add3A_425 : i32 to vector<16xi32>
      %add3A_427 = arith.addi %add3A_389, %add3A_426 : vector<16xi32>
      %swap3A_428 = arith.index_cast %mul3A_308 : i32 to index
      %swap3A_429 = tpu.vector_load %arg19[%swap3A_428] {strides = array<i32>} : memref<2048xi32, #tpu.memory_space<vmem>>, vector<16xi32>,
      %swap3A_430 = vector.shape_cast %swap3A_429 : vector<16xi32> to vector<16xi32>
      %swap3A_431 = vector.shape_cast %add3A_427 : vector<16xi32> to vector<16xi32>
      tpu.vector_store %arg19[%swap3A_428], %swap3A_431 {strides = array<i32>} : memref<2048xi32, #tpu.memory_space<vmem>>, vector<16xi32>,
      %add3A_432 = arith.constant 16512 : i32
      %add3A_433 = vector.broadcast %add3A_432 : i32 to vector<16xi32>
      %add3A_434 = arith.addi %add3A_389, %add3A_433 : vector<16xi32>
      %swap3A_435 = arith.index_cast %mul3A_308 : i32 to index
      %swap3A_436 = tpu.vector_load %arg20[%swap3A_435] {strides = array<i32>} : memref<2048xi32, #tpu.memory_space<vmem>>, vector<16xi32>,
      %swap3A_437 = vector.shape_cast %swap3A_436 : vector<16xi32> to vector<16xi32>
      %swap3A_438 = vector.shape_cast %add3A_434 : vector<16xi32> to vector<16xi32>
      tpu.vector_store %arg20[%swap3A_435], %swap3A_438 {strides = array<i32>} : memref<2048xi32, #tpu.memory_space<vmem>>, vector<16xi32>,
      %add3A_439 = arith.constant 16513 : i32
      %add3A_440 = vector.broadcast %add3A_439 : i32 to vector<16xi32>
      %add3A_441 = arith.addi %add3A_389, %add3A_440 : vector<16xi32>
      %swap3A_442 = arith.index_cast %mul3A_308 : i32 to index
      %swap3A_443 = tpu.vector_load %arg21[%swap3A_442] {strides = array<i32>} : memref<2048xi32, #tpu.memory_space<vmem>>, vector<16xi32>,
      %swap3A_444 = vector.shape_cast %swap3A_443 : vector<16xi32> to vector<16xi32>
      %swap3A_445 = vector.shape_cast %add3A_441 : vector<16xi32> to vector<16xi32>
      tpu.vector_store %arg21[%swap3A_442], %swap3A_445 {strides = array<i32>} : memref<2048xi32, #tpu.memory_space<vmem>>, vector<16xi32>,
      %scan3A_446 = arith.constant 0 : i32
      scf.yield %scan3A_446 : i32
    }
    %scan3A_120 = arith.constant 64 : i32
    %dma_start3A_121 = arith.constant 1024 : i32
    %dma_start3A_122 = tpu.memref_slice %arg22[%dma_start3A_121] : memref<2048xf32, #tpu.memory_space<vmem>> -> memref<1024xf32, #tpu.memory_space<vmem>>
    %dma_start3A_123 = arith.constant 1024 : i32
    %dma_start3A_124 = tpu.memref_slice %arg14[%dma_start3A_123] : memref<2048xi32, #tpu.memory_space<vmem>> -> memref<1024xi32, #tpu.memory_space<vmem>>
    %dma_start3A_125 = arith.constant 0 : i32
    %dma_start3A_126 = tpu.memref_slice %arg3[%dma_start3A_125] : memref<8388608xf32, #tpu.memory_space<hbm>> -> memref<8388608xf32, #tpu.memory_space<hbm>>
    tpu.enqueue_indirect_dma source(%dma_start3A_126 : memref<8388608xf32, #tpu.memory_space<hbm>>) target(%dma_start3A_122 : memref<1024xf32, #tpu.memory_space<vmem>>) offsets(%dma_start3A_124 : memref<1024xi32, #tpu.memory_space<vmem>>) semaphore(%arg37 : memref<!tpu.dma_semaphore, #tpu.memory_space<semaphore_mem>>)
    %dma_start3A_127 = arith.constant 1024 : i32
    %dma_start3A_128 = tpu.memref_slice %arg23[%dma_start3A_127] : memref<2048xf32, #tpu.memory_space<vmem>> -> memref<1024xf32, #tpu.memory_space<vmem>>
    %dma_start3A_129 = arith.constant 1024 : i32
    %dma_start3A_130 = tpu.memref_slice %arg15[%dma_start3A_129] : memref<2048xi32, #tpu.memory_space<vmem>> -> memref<1024xi32, #tpu.memory_space<vmem>>
    %dma_start3A_131 = arith.constant 0 : i32
    %dma_start3A_132 = tpu.memref_slice %arg3[%dma_start3A_131] : memref<8388608xf32, #tpu.memory_space<hbm>> -> memref<8388608xf32, #tpu.memory_space<hbm>>
    tpu.enqueue_indirect_dma source(%dma_start3A_132 : memref<8388608xf32, #tpu.memory_space<hbm>>) target(%dma_start3A_128 : memref<1024xf32, #tpu.memory_space<vmem>>) offsets(%dma_start3A_130 : memref<1024xi32, #tpu.memory_space<vmem>>) semaphore(%arg37 : memref<!tpu.dma_semaphore, #tpu.memory_space<semaphore_mem>>)
    %dma_start3A_133 = arith.constant 1024 : i32
    %dma_start3A_134 = tpu.memref_slice %arg24[%dma_start3A_133] : memref<2048xf32, #tpu.memory_space<vmem>> -> memref<1024xf32, #tpu.memory_space<vmem>>
    %dma_start3A_135 = arith.constant 1024 : i32
    %dma_start3A_136 = tpu.memref_slice %arg16[%dma_start3A_135] : memref<2048xi32, #tpu.memory_space<vmem>> -> memref<1024xi32, #tpu.memory_space<vmem>>
    %dma_start3A_137 = arith.constant 0 : i32
    %dma_start3A_138 = tpu.memref_slice %arg3[%dma_start3A_137] : memref<8388608xf32, #tpu.memory_space<hbm>> -> memref<8388608xf32, #tpu.memory_space<hbm>>
    tpu.enqueue_indirect_dma source(%dma_start3A_138 : memref<8388608xf32, #tpu.memory_space<hbm>>) target(%dma_start3A_134 : memref<1024xf32, #tpu.memory_space<vmem>>) offsets(%dma_start3A_136 : memref<1024xi32, #tpu.memory_space<vmem>>) semaphore(%arg37 : memref<!tpu.dma_semaphore, #tpu.memory_space<semaphore_mem>>)
    %dma_start3A_139 = arith.constant 1024 : i32
    %dma_start3A_140 = tpu.memref_slice %arg25[%dma_start3A_139] : memref<2048xf32, #tpu.memory_space<vmem>> -> memref<1024xf32, #tpu.memory_space<vmem>>
    %dma_start3A_141 = arith.constant 1024 : i32
    %dma_start3A_142 = tpu.memref_slice %arg17[%dma_start3A_141] : memref<2048xi32, #tpu.memory_space<vmem>> -> memref<1024xi32, #tpu.memory_space<vmem>>
    %dma_start3A_143 = arith.constant 0 : i32
    %dma_start3A_144 = tpu.memref_slice %arg3[%dma_start3A_143] : memref<8388608xf32, #tpu.memory_space<hbm>> -> memref<8388608xf32, #tpu.memory_space<hbm>>
    tpu.enqueue_indirect_dma source(%dma_start3A_144 : memref<8388608xf32, #tpu.memory_space<hbm>>) target(%dma_start3A_140 : memref<1024xf32, #tpu.memory_space<vmem>>) offsets(%dma_start3A_142 : memref<1024xi32, #tpu.memory_space<vmem>>) semaphore(%arg37 : memref<!tpu.dma_semaphore, #tpu.memory_space<semaphore_mem>>)
    %dma_start3A_145 = arith.constant 1024 : i32
    %dma_start3A_146 = tpu.memref_slice %arg26[%dma_start3A_145] : memref<2048xf32, #tpu.memory_space<vmem>> -> memref<1024xf32, #tpu.memory_space<vmem>>
    %dma_start3A_147 = arith.constant 1024 : i32
    %dma_start3A_148 = tpu.memref_slice %arg18[%dma_start3A_147] : memref<2048xi32, #tpu.memory_space<vmem>> -> memref<1024xi32, #tpu.memory_space<vmem>>
    %dma_start3A_149 = arith.constant 0 : i32
    %dma_start3A_150 = tpu.memref_slice %arg3[%dma_start3A_149] : memref<8388608xf32, #tpu.memory_space<hbm>> -> memref<8388608xf32, #tpu.memory_space<hbm>>
    tpu.enqueue_indirect_dma source(%dma_start3A_150 : memref<8388608xf32, #tpu.memory_space<hbm>>) target(%dma_start3A_146 : memref<1024xf32, #tpu.memory_space<vmem>>) offsets(%dma_start3A_148 : memref<1024xi32, #tpu.memory_space<vmem>>) semaphore(%arg37 : memref<!tpu.dma_semaphore, #tpu.memory_space<semaphore_mem>>)
    %dma_start3A_151 = arith.constant 1024 : i32
    %dma_start3A_152 = tpu.memref_slice %arg27[%dma_start3A_151] : memref<2048xf32, #tpu.memory_space<vmem>> -> memref<1024xf32, #tpu.memory_space<vmem>>
    %dma_start3A_153 = arith.constant 1024 : i32
    %dma_start3A_154 = tpu.memref_slice %arg19[%dma_start3A_153] : memref<2048xi32, #tpu.memory_space<vmem>> -> memref<1024xi32, #tpu.memory_space<vmem>>
    %dma_start3A_155 = arith.constant 0 : i32
    %dma_start3A_156 = tpu.memref_slice %arg3[%dma_start3A_155] : memref<8388608xf32, #tpu.memory_space<hbm>> -> memref<8388608xf32, #tpu.memory_space<hbm>>
    tpu.enqueue_indirect_dma source(%dma_start3A_156 : memref<8388608xf32, #tpu.memory_space<hbm>>) target(%dma_start3A_152 : memref<1024xf32, #tpu.memory_space<vmem>>) offsets(%dma_start3A_154 : memref<1024xi32, #tpu.memory_space<vmem>>) semaphore(%arg37 : memref<!tpu.dma_semaphore, #tpu.memory_space<semaphore_mem>>)
    %dma_start3A_157 = arith.constant 1024 : i32
    %dma_start3A_158 = tpu.memref_slice %arg28[%dma_start3A_157] : memref<2048xf32, #tpu.memory_space<vmem>> -> memref<1024xf32, #tpu.memory_space<vmem>>
    %dma_start3A_159 = arith.constant 1024 : i32
    %dma_start3A_160 = tpu.memref_slice %arg20[%dma_start3A_159] : memref<2048xi32, #tpu.memory_space<vmem>> -> memref<1024xi32, #tpu.memory_space<vmem>>
    %dma_start3A_161 = arith.constant 0 : i32
    %dma_start3A_162 = tpu.memref_slice %arg3[%dma_start3A_161] : memref<8388608xf32, #tpu.memory_space<hbm>> -> memref<8388608xf32, #tpu.memory_space<hbm>>
    tpu.enqueue_indirect_dma source(%dma_start3A_162 : memref<8388608xf32, #tpu.memory_space<hbm>>) target(%dma_start3A_158 : memref<1024xf32, #tpu.memory_space<vmem>>) offsets(%dma_start3A_160 : memref<1024xi32, #tpu.memory_space<vmem>>) semaphore(%arg37 : memref<!tpu.dma_semaphore, #tpu.memory_space<semaphore_mem>>)
    %dma_start3A_163 = arith.constant 1024 : i32
    %dma_start3A_164 = tpu.memref_slice %arg29[%dma_start3A_163] : memref<2048xf32, #tpu.memory_space<vmem>> -> memref<1024xf32, #tpu.memory_space<vmem>>
    %dma_start3A_165 = arith.constant 1024 : i32
    %dma_start3A_166 = tpu.memref_slice %arg21[%dma_start3A_165] : memref<2048xi32, #tpu.memory_space<vmem>> -> memref<1024xi32, #tpu.memory_space<vmem>>
    %dma_start3A_167 = arith.constant 0 : i32
    %dma_start3A_168 = tpu.memref_slice %arg3[%dma_start3A_167] : memref<8388608xf32, #tpu.memory_space<hbm>> -> memref<8388608xf32, #tpu.memory_space<hbm>>
    tpu.enqueue_indirect_dma source(%dma_start3A_168 : memref<8388608xf32, #tpu.memory_space<hbm>>) target(%dma_start3A_164 : memref<1024xf32, #tpu.memory_space<vmem>>) offsets(%dma_start3A_166 : memref<1024xi32, #tpu.memory_space<vmem>>) semaphore(%arg37 : memref<!tpu.dma_semaphore, #tpu.memory_space<semaphore_mem>>)
    %dma_wait3A = arith.constant 0 : i32
    %dma_wait3A_169 = tpu.memref_slice %arg22[%dma_wait3A] : memref<2048xf32, #tpu.memory_space<vmem>> -> memref<1024xf32, #tpu.memory_space<vmem>>
    %dma_wait3A_170 = arith.constant 0 : i32
    %dma_wait3A_171 = tpu.memref_slice %arg14[%dma_wait3A_170] : memref<2048xi32, #tpu.memory_space<vmem>> -> memref<1024xi32, #tpu.memory_space<vmem>>
    %dma_wait3A_172 = arith.constant 0 : i32
    %dma_wait3A_173 = tpu.memref_slice %arg3[%dma_wait3A_172] : memref<8388608xf32, #tpu.memory_space<hbm>> -> memref<8388608xf32, #tpu.memory_space<hbm>>
    tpu.wait_indirect_dma semaphore(%arg36 : memref<!tpu.dma_semaphore, #tpu.memory_space<semaphore_mem>>) src(%dma_wait3A_173 : memref<8388608xf32, #tpu.memory_space<hbm>>) dst(%dma_wait3A_169 : memref<1024xf32, #tpu.memory_space<vmem>>)
    %dma_wait3A_174 = arith.constant 0 : i32
    %dma_wait3A_175 = tpu.memref_slice %arg23[%dma_wait3A_174] : memref<2048xf32, #tpu.memory_space<vmem>> -> memref<1024xf32, #tpu.memory_space<vmem>>
    %dma_wait3A_176 = arith.constant 0 : i32
    %dma_wait3A_177 = tpu.memref_slice %arg15[%dma_wait3A_176] : memref<2048xi32, #tpu.memory_space<vmem>> -> memref<1024xi32, #tpu.memory_space<vmem>>
    %dma_wait3A_178 = arith.constant 0 : i32
    %dma_wait3A_179 = tpu.memref_slice %arg3[%dma_wait3A_178] : memref<8388608xf32, #tpu.memory_space<hbm>> -> memref<8388608xf32, #tpu.memory_space<hbm>>
    tpu.wait_indirect_dma semaphore(%arg36 : memref<!tpu.dma_semaphore, #tpu.memory_space<semaphore_mem>>) src(%dma_wait3A_179 : memref<8388608xf32, #tpu.memory_space<hbm>>) dst(%dma_wait3A_175 : memref<1024xf32, #tpu.memory_space<vmem>>)
    %dma_wait3A_180 = arith.constant 0 : i32
    %dma_wait3A_181 = tpu.memref_slice %arg24[%dma_wait3A_180] : memref<2048xf32, #tpu.memory_space<vmem>> -> memref<1024xf32, #tpu.memory_space<vmem>>
    %dma_wait3A_182 = arith.constant 0 : i32
    %dma_wait3A_183 = tpu.memref_slice %arg16[%dma_wait3A_182] : memref<2048xi32, #tpu.memory_space<vmem>> -> memref<1024xi32, #tpu.memory_space<vmem>>
    %dma_wait3A_184 = arith.constant 0 : i32
    %dma_wait3A_185 = tpu.memref_slice %arg3[%dma_wait3A_184] : memref<8388608xf32, #tpu.memory_space<hbm>> -> memref<8388608xf32, #tpu.memory_space<hbm>>
    tpu.wait_indirect_dma semaphore(%arg36 : memref<!tpu.dma_semaphore, #tpu.memory_space<semaphore_mem>>) src(%dma_wait3A_185 : memref<8388608xf32, #tpu.memory_space<hbm>>) dst(%dma_wait3A_181 : memref<1024xf32, #tpu.memory_space<vmem>>)
    %dma_wait3A_186 = arith.constant 0 : i32
    %dma_wait3A_187 = tpu.memref_slice %arg25[%dma_wait3A_186] : memref<2048xf32, #tpu.memory_space<vmem>> -> memref<1024xf32, #tpu.memory_space<vmem>>
    %dma_wait3A_188 = arith.constant 0 : i32
    %dma_wait3A_189 = tpu.memref_slice %arg17[%dma_wait3A_188] : memref<2048xi32, #tpu.memory_space<vmem>> -> memref<1024xi32, #tpu.memory_space<vmem>>
    %dma_wait3A_190 = arith.constant 0 : i32
    %dma_wait3A_191 = tpu.memref_slice %arg3[%dma_wait3A_190] : memref<8388608xf32, #tpu.memory_space<hbm>> -> memref<8388608xf32, #tpu.memory_space<hbm>>
    tpu.wait_indirect_dma semaphore(%arg36 : memref<!tpu.dma_semaphore, #tpu.memory_space<semaphore_mem>>) src(%dma_wait3A_191 : memref<8388608xf32, #tpu.memory_space<hbm>>) dst(%dma_wait3A_187 : memref<1024xf32, #tpu.memory_space<vmem>>)
    %dma_wait3A_192 = arith.constant 0 : i32
    %dma_wait3A_193 = tpu.memref_slice %arg26[%dma_wait3A_192] : memref<2048xf32, #tpu.memory_space<vmem>> -> memref<1024xf32, #tpu.memory_space<vmem>>
    %dma_wait3A_194 = arith.constant 0 : i32
    %dma_wait3A_195 = tpu.memref_slice %arg18[%dma_wait3A_194] : memref<2048xi32, #tpu.memory_space<vmem>> -> memref<1024xi32, #tpu.memory_space<vmem>>
    %dma_wait3A_196 = arith.constant 0 : i32
    %dma_wait3A_197 = tpu.memref_slice %arg3[%dma_wait3A_196] : memref<8388608xf32, #tpu.memory_space<hbm>> -> memref<8388608xf32, #tpu.memory_space<hbm>>
    tpu.wait_indirect_dma semaphore(%arg36 : memref<!tpu.dma_semaphore, #tpu.memory_space<semaphore_mem>>) src(%dma_wait3A_197 : memref<8388608xf32, #tpu.memory_space<hbm>>) dst(%dma_wait3A_193 : memref<1024xf32, #tpu.memory_space<vmem>>)
    %dma_wait3A_198 = arith.constant 0 : i32
    %dma_wait3A_199 = tpu.memref_slice %arg27[%dma_wait3A_198] : memref<2048xf32, #tpu.memory_space<vmem>> -> memref<1024xf32, #tpu.memory_space<vmem>>
    %dma_wait3A_200 = arith.constant 0 : i32
    %dma_wait3A_201 = tpu.memref_slice %arg19[%dma_wait3A_200] : memref<2048xi32, #tpu.memory_space<vmem>> -> memref<1024xi32, #tpu.memory_space<vmem>>
    %dma_wait3A_202 = arith.constant 0 : i32
    %dma_wait3A_203 = tpu.memref_slice %arg3[%dma_wait3A_202] : memref<8388608xf32, #tpu.memory_space<hbm>> -> memref<8388608xf32, #tpu.memory_space<hbm>>
    tpu.wait_indirect_dma semaphore(%arg36 : memref<!tpu.dma_semaphore, #tpu.memory_space<semaphore_mem>>) src(%dma_wait3A_203 : memref<8388608xf32, #tpu.memory_space<hbm>>) dst(%dma_wait3A_199 : memref<1024xf32, #tpu.memory_space<vmem>>)
    %dma_wait3A_204 = arith.constant 0 : i32
    %dma_wait3A_205 = tpu.memref_slice %arg28[%dma_wait3A_204] : memref<2048xf32, #tpu.memory_space<vmem>> -> memref<1024xf32, #tpu.memory_space<vmem>>
    %dma_wait3A_206 = arith.constant 0 : i32
    %dma_wait3A_207 = tpu.memref_slice %arg20[%dma_wait3A_206] : memref<2048xi32, #tpu.memory_space<vmem>> -> memref<1024xi32, #tpu.memory_space<vmem>>
    %dma_wait3A_208 = arith.constant 0 : i32
    %dma_wait3A_209 = tpu.memref_slice %arg3[%dma_wait3A_208] : memref<8388608xf32, #tpu.memory_space<hbm>> -> memref<8388608xf32, #tpu.memory_space<hbm>>
    tpu.wait_indirect_dma semaphore(%arg36 : memref<!tpu.dma_semaphore, #tpu.memory_space<semaphore_mem>>) src(%dma_wait3A_209 : memref<8388608xf32, #tpu.memory_space<hbm>>) dst(%dma_wait3A_205 : memref<1024xf32, #tpu.memory_space<vmem>>)
    %dma_wait3A_210 = arith.constant 0 : i32
    %dma_wait3A_211 = tpu.memref_slice %arg29[%dma_wait3A_210] : memref<2048xf32, #tpu.memory_space<vmem>> -> memref<1024xf32, #tpu.memory_space<vmem>>
    %dma_wait3A_212 = arith.constant 0 : i32
    %dma_wait3A_213 = tpu.memref_slice %arg21[%dma_wait3A_212] : memref<2048xi32, #tpu.memory_space<vmem>> -> memref<1024xi32, #tpu.memory_space<vmem>>
    %dma_wait3A_214 = arith.constant 0 : i32
    %dma_wait3A_215 = tpu.memref_slice %arg3[%dma_wait3A_214] : memref<8388608xf32, #tpu.memory_space<hbm>> -> memref<8388608xf32, #tpu.memory_space<hbm>>
    tpu.wait_indirect_dma semaphore(%arg36 : memref<!tpu.dma_semaphore, #tpu.memory_space<semaphore_mem>>) src(%dma_wait3A_215 : memref<8388608xf32, #tpu.memory_space<hbm>>) dst(%dma_wait3A_211 : memref<1024xf32, #tpu.memory_space<vmem>>)
    %scan3A_216 = arith.constant 0 : i32
    %scan3A_217 = arith.constant 64 : i32
    %scan3A_218 = arith.addi %scan3A_216, %scan3A_217 : i32
    %scan3A_219 = arith.constant 1 : i32
    %scan3A_220 = scf.for %scan3A_305 = %scan3A_216 to %scan3A_218 step %scan3A_219 iter_args(%scan3A_306 = %broadcast_in_dim3A_60) -> (vector<16xf32>)  : i32 {
      %mul3A_307 = arith.constant 16 : i32
      %mul3A_308 = arith.muli %scan3A_305, %mul3A_307 : i32
      %get3A = arith.index_cast %mul3A_308 : i32 to index
      %get3A_309 = tpu.vector_load %arg22[%get3A] {strides = array<i32>} : memref<2048xf32, #tpu.memory_space<vmem>>, vector<16xf32>,
      %get3A_310 = vector.shape_cast %get3A_309 : vector<16xf32> to vector<16xf32>
      %get3A_311 = arith.index_cast %mul3A_308 : i32 to index
      %get3A_312 = tpu.vector_load %arg23[%get3A_311] {strides = array<i32>} : memref<2048xf32, #tpu.memory_space<vmem>>, vector<16xf32>,
      %get3A_313 = vector.shape_cast %get3A_312 : vector<16xf32> to vector<16xf32>
      %get3A_314 = arith.index_cast %mul3A_308 : i32 to index
      %get3A_315 = tpu.vector_load %arg24[%get3A_314] {strides = array<i32>} : memref<2048xf32, #tpu.memory_space<vmem>>, vector<16xf32>,
      %get3A_316 = vector.shape_cast %get3A_315 : vector<16xf32> to vector<16xf32>
      %get3A_317 = arith.index_cast %mul3A_308 : i32 to index
      %get3A_318 = tpu.vector_load %arg25[%get3A_317] {strides = array<i32>} : memref<2048xf32, #tpu.memory_space<vmem>>, vector<16xf32>,
      %get3A_319 = vector.shape_cast %get3A_318 : vector<16xf32> to vector<16xf32>
      %get3A_320 = arith.index_cast %mul3A_308 : i32 to index
      %get3A_321 = tpu.vector_load %arg26[%get3A_320] {strides = array<i32>} : memref<2048xf32, #tpu.memory_space<vmem>>, vector<16xf32>,
      %get3A_322 = vector.shape_cast %get3A_321 : vector<16xf32> to vector<16xf32>
      %get3A_323 = arith.index_cast %mul3A_308 : i32 to index
      %get3A_324 = tpu.vector_load %arg27[%get3A_323] {strides = array<i32>} : memref<2048xf32, #tpu.memory_space<vmem>>, vector<16xf32>,
      %get3A_325 = vector.shape_cast %get3A_324 : vector<16xf32> to vector<16xf32>
      %get3A_326 = arith.index_cast %mul3A_308 : i32 to index
      %get3A_327 = tpu.vector_load %arg28[%get3A_326] {strides = array<i32>} : memref<2048xf32, #tpu.memory_space<vmem>>, vector<16xf32>,
      %get3A_328 = vector.shape_cast %get3A_327 : vector<16xf32> to vector<16xf32>
      %get3A_329 = arith.index_cast %mul3A_308 : i32 to index
      %get3A_330 = tpu.vector_load %arg29[%get3A_329] {strides = array<i32>} : memref<2048xf32, #tpu.memory_space<vmem>>, vector<16xf32>,
      %get3A_331 = vector.shape_cast %get3A_330 : vector<16xf32> to vector<16xf32>
      %get3A_332 = arith.index_cast %mul3A_308 : i32 to index
      %get3A_333 = tpu.vector_load %arg11[%get3A_332] {strides = array<i32>} : memref<2048xf32, #tpu.memory_space<vmem>>, vector<16xf32>,
      %get3A_334 = vector.shape_cast %get3A_333 : vector<16xf32> to vector<16xf32>
      %get3A_335 = arith.index_cast %mul3A_308 : i32 to index
      %get3A_336 = tpu.vector_load %arg12[%get3A_335] {strides = array<i32>} : memref<2048xf32, #tpu.memory_space<vmem>>, vector<16xf32>,
      %get3A_337 = vector.shape_cast %get3A_336 : vector<16xf32> to vector<16xf32>
      %get3A_338 = arith.index_cast %mul3A_308 : i32 to index
      %get3A_339 = tpu.vector_load %arg13[%get3A_338] {strides = array<i32>} : memref<2048xf32, #tpu.memory_space<vmem>>, vector<16xf32>,
      %get3A_340 = vector.shape_cast %get3A_339 : vector<16xf32> to vector<16xf32>
      %sub3A_341 = arith.constant 1.000000e+00 : f32
      %sub3A_342 = vector.broadcast %sub3A_341 : f32 to vector<16xf32>
      %sub3A_343 = arith.subf %sub3A_342, %get3A_334 : vector<16xf32>
      %sub3A_344 = arith.constant 1.000000e+00 : f32
      %sub3A_345 = vector.broadcast %sub3A_344 : f32 to vector<16xf32>
      %sub3A_346 = arith.subf %sub3A_345, %get3A_337 : vector<16xf32>
      %sub3A_347 = arith.constant 1.000000e+00 : f32
      %sub3A_348 = vector.broadcast %sub3A_347 : f32 to vector<16xf32>
      %sub3A_349 = arith.subf %sub3A_348, %get3A_340 : vector<16xf32>
      %mul3A_350 = arith.mulf %sub3A_346, %sub3A_349 : vector<16xf32>
      %mul3A_351 = arith.mulf %sub3A_346, %get3A_340 : vector<16xf32>
      %mul3A_352 = arith.mulf %get3A_337, %sub3A_349 : vector<16xf32>
      %mul3A_353 = arith.mulf %get3A_337, %get3A_340 : vector<16xf32>
      %mul3A_354 = arith.mulf %get3A_310, %mul3A_350 : vector<16xf32>
      %mul3A_355 = arith.mulf %get3A_313, %mul3A_351 : vector<16xf32>
      %add3A_356 = arith.addf %mul3A_354, %mul3A_355 : vector<16xf32>
      %mul3A_357 = arith.mulf %get3A_316, %mul3A_352 : vector<16xf32>
      %add3A_358 = arith.addf %add3A_356, %mul3A_357 : vector<16xf32>
      %mul3A_359 = arith.mulf %get3A_319, %mul3A_353 : vector<16xf32>
      %add3A_360 = arith.addf %add3A_358, %mul3A_359 : vector<16xf32>
      %mul3A_361 = arith.mulf %get3A_322, %mul3A_350 : vector<16xf32>
      %mul3A_362 = arith.mulf %get3A_325, %mul3A_351 : vector<16xf32>
      %add3A_363 = arith.addf %mul3A_361, %mul3A_362 : vector<16xf32>
      %mul3A_364 = arith.mulf %get3A_328, %mul3A_352 : vector<16xf32>
      %add3A_365 = arith.addf %add3A_363, %mul3A_364 : vector<16xf32>
      %mul3A_366 = arith.mulf %get3A_331, %mul3A_353 : vector<16xf32>
      %add3A_367 = arith.addf %add3A_365, %mul3A_366 : vector<16xf32>
      %mul3A_368 = arith.mulf %sub3A_343, %add3A_360 : vector<16xf32>
      %mul3A_369 = arith.mulf %get3A_334, %add3A_367 : vector<16xf32>
      %add3A_370 = arith.addf %mul3A_368, %mul3A_369 : vector<16xf32>
      %sub3A_371 = arith.subf %add3A_367, %add3A_360 : vector<16xf32>
      %sub3A_372 = arith.subf %get3A_316, %get3A_310 : vector<16xf32>
      %mul3A_373 = arith.mulf %sub3A_372, %sub3A_349 : vector<16xf32>
      %sub3A_374 = arith.subf %get3A_319, %get3A_313 : vector<16xf32>
      %mul3A_375 = arith.mulf %sub3A_374, %get3A_340 : vector<16xf32>
      %add3A_376 = arith.addf %mul3A_373, %mul3A_375 : vector<16xf32>
      %sub3A_377 = arith.subf %get3A_328, %get3A_322 : vector<16xf32>
      %mul3A_378 = arith.mulf %sub3A_377, %sub3A_349 : vector<16xf32>
      %sub3A_379 = arith.subf %get3A_331, %get3A_325 : vector<16xf32>
      %mul3A_380 = arith.mulf %sub3A_379, %get3A_340 : vector<16xf32>
      %add3A_381 = arith.addf %mul3A_378, %mul3A_380 : vector<16xf32>
      %mul3A_382 = arith.mulf %sub3A_343, %add3A_376 : vector<16xf32>
      %mul3A_383 = arith.mulf %get3A_334, %add3A_381 : vector<16xf32>
      %add3A_384 = arith.addf %mul3A_382, %mul3A_383 : vector<16xf32>
      %sub3A_385 = arith.subf %get3A_313, %get3A_310 : vector<16xf32>
      %mul3A_386 = arith.mulf %sub3A_385, %sub3A_346 : vector<16xf32>
      %sub3A_387 = arith.subf %get3A_319, %get3A_316 : vector<16xf32>
      %mul3A_388 = arith.mulf %sub3A_387, %get3A_337 : vector<16xf32>
      %add3A_389 = arith.addf %mul3A_386, %mul3A_388 : vector<16xf32>
      %sub3A_390 = arith.subf %get3A_325, %get3A_322 : vector<16xf32>
      %mul3A_391 = arith.mulf %sub3A_390, %sub3A_346 : vector<16xf32>
      %sub3A_392 = arith.subf %get3A_331, %get3A_328 : vector<16xf32>
      %mul3A_393 = arith.mulf %sub3A_392, %get3A_337 : vector<16xf32>
      %add3A_394 = arith.addf %mul3A_391, %mul3A_393 : vector<16xf32>
      %mul3A_395 = arith.mulf %sub3A_343, %add3A_389 : vector<16xf32>
      %mul3A_396 = arith.mulf %get3A_334, %add3A_394 : vector<16xf32>
      %add3A_397 = arith.addf %mul3A_395, %mul3A_396 : vector<16xf32>
      %mul3A_398 = arith.mulf %sub3A_371, %sub3A_371 : vector<16xf32>
      %mul3A_399 = arith.mulf %add3A_384, %add3A_384 : vector<16xf32>
      %add3A_400 = arith.addf %mul3A_398, %mul3A_399 : vector<16xf32>
      %mul3A_401 = arith.mulf %add3A_397, %add3A_397 : vector<16xf32>
      %add3A_402 = arith.addf %add3A_400, %mul3A_401 : vector<16xf32>
      %bitcast_convert_type3A = tpu.bitcast %add3A_402 : vector<16xf32> -> vector<16xi32>
      %shift_right_logical3A = arith.constant 1 : i32
      %shift_right_logical3A_403 = vector.broadcast %shift_right_logical3A : i32 to vector<16xi32>
      %shift_right_logical3A_404 = arith.shrui %bitcast_convert_type3A, %shift_right_logical3A_403 : vector<16xi32>
      %sub3A_405 = arith.constant 1597463007 : i32
      %sub3A_406 = vector.broadcast %sub3A_405 : i32 to vector<16xi32>
      %sub3A_407 = arith.subi %sub3A_406, %shift_right_logical3A_404 : vector<16xi32>
      %bitcast_convert_type3A_408 = tpu.bitcast %sub3A_407 : vector<16xi32> -> vector<16xf32>
      %mul3A_409 = arith.constant 5.000000e-01 : f32
      %mul3A_410 = vector.broadcast %mul3A_409 : f32 to vector<16xf32>
      %mul3A_411 = arith.mulf %add3A_402, %mul3A_410 : vector<16xf32>
      %mul3A_412 = arith.mulf %mul3A_411, %bitcast_convert_type3A_408 : vector<16xf32>
      %mul3A_413 = arith.mulf %mul3A_412, %bitcast_convert_type3A_408 : vector<16xf32>
      %sub3A_414 = arith.constant 1.500000e+00 : f32
      %sub3A_415 = vector.broadcast %sub3A_414 : f32 to vector<16xf32>
      %sub3A_416 = arith.subf %sub3A_415, %mul3A_413 : vector<16xf32>
      %mul3A_417 = arith.mulf %bitcast_convert_type3A_408, %sub3A_416 : vector<16xf32>
      %mul3A_418 = arith.mulf %mul3A_411, %mul3A_417 : vector<16xf32>
      %mul3A_419 = arith.mulf %mul3A_418, %mul3A_417 : vector<16xf32>
      %sub3A_420 = arith.constant 1.500000e+00 : f32
      %sub3A_421 = vector.broadcast %sub3A_420 : f32 to vector<16xf32>
      %sub3A_422 = arith.subf %sub3A_421, %mul3A_419 : vector<16xf32>
      %mul3A_423 = arith.mulf %mul3A_417, %sub3A_422 : vector<16xf32>
      %mul3A_424 = arith.mulf %mul3A_411, %mul3A_423 : vector<16xf32>
      %mul3A_425 = arith.mulf %mul3A_424, %mul3A_423 : vector<16xf32>
      %sub3A_426 = arith.constant 1.500000e+00 : f32
      %sub3A_427 = vector.broadcast %sub3A_426 : f32 to vector<16xf32>
      %sub3A_428 = arith.subf %sub3A_427, %mul3A_425 : vector<16xf32>
      %mul3A_429 = arith.mulf %mul3A_423, %sub3A_428 : vector<16xf32>
      %min3A = arith.constant 1.000000e+05 : f32
      %min3A_430 = vector.broadcast %min3A : f32 to vector<16xf32>
      %min3A_431 = arith.minimumf %mul3A_429, %min3A_430 : vector<16xf32>
      %swap3A_432 = arith.index_cast %mul3A_308 : i32 to index
      %swap3A_433 = tpu.vector_load %arg30[%swap3A_432] {strides = array<i32>} : memref<2048xf32, #tpu.memory_space<vmem>>, vector<16xf32>,
      %swap3A_434 = vector.shape_cast %swap3A_433 : vector<16xf32> to vector<16xf32>
      %swap3A_435 = vector.shape_cast %add3A_370 : vector<16xf32> to vector<16xf32>
      tpu.vector_store %arg30[%swap3A_432], %swap3A_435 {strides = array<i32>} : memref<2048xf32, #tpu.memory_space<vmem>>, vector<16xf32>,
      %mul3A_436 = arith.mulf %sub3A_371, %min3A_431 : vector<16xf32>
      %swap3A_437 = arith.index_cast %mul3A_308 : i32 to index
      %swap3A_438 = tpu.vector_load %arg31[%swap3A_437] {strides = array<i32>} : memref<2048xf32, #tpu.memory_space<vmem>>, vector<16xf32>,
      %swap3A_439 = vector.shape_cast %swap3A_438 : vector<16xf32> to vector<16xf32>
      %swap3A_440 = vector.shape_cast %mul3A_436 : vector<16xf32> to vector<16xf32>
      tpu.vector_store %arg31[%swap3A_437], %swap3A_440 {strides = array<i32>} : memref<2048xf32, #tpu.memory_space<vmem>>, vector<16xf32>,
      %mul3A_441 = arith.mulf %add3A_384, %min3A_431 : vector<16xf32>
      %swap3A_442 = arith.index_cast %mul3A_308 : i32 to index
      %swap3A_443 = tpu.vector_load %arg32[%swap3A_442] {strides = array<i32>} : memref<2048xf32, #tpu.memory_space<vmem>>, vector<16xf32>,
      %swap3A_444 = vector.shape_cast %swap3A_443 : vector<16xf32> to vector<16xf32>
      %swap3A_445 = vector.shape_cast %mul3A_441 : vector<16xf32> to vector<16xf32>
      tpu.vector_store %arg32[%swap3A_442], %swap3A_445 {strides = array<i32>} : memref<2048xf32, #tpu.memory_space<vmem>>, vector<16xf32>,
      %mul3A_446 = arith.mulf %add3A_397, %min3A_431 : vector<16xf32>
      %swap3A_447 = arith.index_cast %mul3A_308 : i32 to index
      %swap3A_448 = tpu.vector_load %arg33[%swap3A_447] {strides = array<i32>} : memref<2048xf32, #tpu.memory_space<vmem>>, vector<16xf32>,
      %swap3A_449 = vector.shape_cast %swap3A_448 : vector<16xf32> to vector<16xf32>
      %swap3A_450 = vector.shape_cast %mul3A_446 : vector<16xf32> to vector<16xf32>
      tpu.vector_store %arg33[%swap3A_447], %swap3A_450 {strides = array<i32>} : memref<2048xf32, #tpu.memory_space<vmem>>, vector<16xf32>,
      %min3A_451 = arith.constant 0.000000e+00 : f32
      %min3A_452 = vector.broadcast %min3A_451 : f32 to vector<16xf32>
      %min3A_453 = arith.minimumf %add3A_370, %min3A_452 : vector<16xf32>
      %add3A_454 = arith.addf %scan3A_306, %min3A_453 : vector<16xf32>
      scf.yield %add3A_454 : vector<16xf32>
    }
    %scan3A_221 = arith.constant 64 : i32
    %dma_wait3A_222 = arith.constant 1024 : i32
    %dma_wait3A_223 = tpu.memref_slice %arg22[%dma_wait3A_222] : memref<2048xf32, #tpu.memory_space<vmem>> -> memref<1024xf32, #tpu.memory_space<vmem>>
    %dma_wait3A_224 = arith.constant 1024 : i32
    %dma_wait3A_225 = tpu.memref_slice %arg14[%dma_wait3A_224] : memref<2048xi32, #tpu.memory_space<vmem>> -> memref<1024xi32, #tpu.memory_space<vmem>>
    %dma_wait3A_226 = arith.constant 0 : i32
    %dma_wait3A_227 = tpu.memref_slice %arg3[%dma_wait3A_226] : memref<8388608xf32, #tpu.memory_space<hbm>> -> memref<8388608xf32, #tpu.memory_space<hbm>>
    tpu.wait_indirect_dma semaphore(%arg37 : memref<!tpu.dma_semaphore, #tpu.memory_space<semaphore_mem>>) src(%dma_wait3A_227 : memref<8388608xf32, #tpu.memory_space<hbm>>) dst(%dma_wait3A_223 : memref<1024xf32, #tpu.memory_space<vmem>>)
    %dma_wait3A_228 = arith.constant 1024 : i32
    %dma_wait3A_229 = tpu.memref_slice %arg23[%dma_wait3A_228] : memref<2048xf32, #tpu.memory_space<vmem>> -> memref<1024xf32, #tpu.memory_space<vmem>>
    %dma_wait3A_230 = arith.constant 1024 : i32
    %dma_wait3A_231 = tpu.memref_slice %arg15[%dma_wait3A_230] : memref<2048xi32, #tpu.memory_space<vmem>> -> memref<1024xi32, #tpu.memory_space<vmem>>
    %dma_wait3A_232 = arith.constant 0 : i32
    %dma_wait3A_233 = tpu.memref_slice %arg3[%dma_wait3A_232] : memref<8388608xf32, #tpu.memory_space<hbm>> -> memref<8388608xf32, #tpu.memory_space<hbm>>
    tpu.wait_indirect_dma semaphore(%arg37 : memref<!tpu.dma_semaphore, #tpu.memory_space<semaphore_mem>>) src(%dma_wait3A_233 : memref<8388608xf32, #tpu.memory_space<hbm>>) dst(%dma_wait3A_229 : memref<1024xf32, #tpu.memory_space<vmem>>)
    %dma_wait3A_234 = arith.constant 1024 : i32
    %dma_wait3A_235 = tpu.memref_slice %arg24[%dma_wait3A_234] : memref<2048xf32, #tpu.memory_space<vmem>> -> memref<1024xf32, #tpu.memory_space<vmem>>
    %dma_wait3A_236 = arith.constant 1024 : i32
    %dma_wait3A_237 = tpu.memref_slice %arg16[%dma_wait3A_236] : memref<2048xi32, #tpu.memory_space<vmem>> -> memref<1024xi32, #tpu.memory_space<vmem>>
    %dma_wait3A_238 = arith.constant 0 : i32
    %dma_wait3A_239 = tpu.memref_slice %arg3[%dma_wait3A_238] : memref<8388608xf32, #tpu.memory_space<hbm>> -> memref<8388608xf32, #tpu.memory_space<hbm>>
    tpu.wait_indirect_dma semaphore(%arg37 : memref<!tpu.dma_semaphore, #tpu.memory_space<semaphore_mem>>) src(%dma_wait3A_239 : memref<8388608xf32, #tpu.memory_space<hbm>>) dst(%dma_wait3A_235 : memref<1024xf32, #tpu.memory_space<vmem>>)
    %dma_wait3A_240 = arith.constant 1024 : i32
    %dma_wait3A_241 = tpu.memref_slice %arg25[%dma_wait3A_240] : memref<2048xf32, #tpu.memory_space<vmem>> -> memref<1024xf32, #tpu.memory_space<vmem>>
    %dma_wait3A_242 = arith.constant 1024 : i32
    %dma_wait3A_243 = tpu.memref_slice %arg17[%dma_wait3A_242] : memref<2048xi32, #tpu.memory_space<vmem>> -> memref<1024xi32, #tpu.memory_space<vmem>>
    %dma_wait3A_244 = arith.constant 0 : i32
    %dma_wait3A_245 = tpu.memref_slice %arg3[%dma_wait3A_244] : memref<8388608xf32, #tpu.memory_space<hbm>> -> memref<8388608xf32, #tpu.memory_space<hbm>>
    tpu.wait_indirect_dma semaphore(%arg37 : memref<!tpu.dma_semaphore, #tpu.memory_space<semaphore_mem>>) src(%dma_wait3A_245 : memref<8388608xf32, #tpu.memory_space<hbm>>) dst(%dma_wait3A_241 : memref<1024xf32, #tpu.memory_space<vmem>>)
    %dma_wait3A_246 = arith.constant 1024 : i32
    %dma_wait3A_247 = tpu.memref_slice %arg26[%dma_wait3A_246] : memref<2048xf32, #tpu.memory_space<vmem>> -> memref<1024xf32, #tpu.memory_space<vmem>>
    %dma_wait3A_248 = arith.constant 1024 : i32
    %dma_wait3A_249 = tpu.memref_slice %arg18[%dma_wait3A_248] : memref<2048xi32, #tpu.memory_space<vmem>> -> memref<1024xi32, #tpu.memory_space<vmem>>
    %dma_wait3A_250 = arith.constant 0 : i32
    %dma_wait3A_251 = tpu.memref_slice %arg3[%dma_wait3A_250] : memref<8388608xf32, #tpu.memory_space<hbm>> -> memref<8388608xf32, #tpu.memory_space<hbm>>
    tpu.wait_indirect_dma semaphore(%arg37 : memref<!tpu.dma_semaphore, #tpu.memory_space<semaphore_mem>>) src(%dma_wait3A_251 : memref<8388608xf32, #tpu.memory_space<hbm>>) dst(%dma_wait3A_247 : memref<1024xf32, #tpu.memory_space<vmem>>)
    %dma_wait3A_252 = arith.constant 1024 : i32
    %dma_wait3A_253 = tpu.memref_slice %arg27[%dma_wait3A_252] : memref<2048xf32, #tpu.memory_space<vmem>> -> memref<1024xf32, #tpu.memory_space<vmem>>
    %dma_wait3A_254 = arith.constant 1024 : i32
    %dma_wait3A_255 = tpu.memref_slice %arg19[%dma_wait3A_254] : memref<2048xi32, #tpu.memory_space<vmem>> -> memref<1024xi32, #tpu.memory_space<vmem>>
    %dma_wait3A_256 = arith.constant 0 : i32
    %dma_wait3A_257 = tpu.memref_slice %arg3[%dma_wait3A_256] : memref<8388608xf32, #tpu.memory_space<hbm>> -> memref<8388608xf32, #tpu.memory_space<hbm>>
    tpu.wait_indirect_dma semaphore(%arg37 : memref<!tpu.dma_semaphore, #tpu.memory_space<semaphore_mem>>) src(%dma_wait3A_257 : memref<8388608xf32, #tpu.memory_space<hbm>>) dst(%dma_wait3A_253 : memref<1024xf32, #tpu.memory_space<vmem>>)
    %dma_wait3A_258 = arith.constant 1024 : i32
    %dma_wait3A_259 = tpu.memref_slice %arg28[%dma_wait3A_258] : memref<2048xf32, #tpu.memory_space<vmem>> -> memref<1024xf32, #tpu.memory_space<vmem>>
    %dma_wait3A_260 = arith.constant 1024 : i32
    %dma_wait3A_261 = tpu.memref_slice %arg20[%dma_wait3A_260] : memref<2048xi32, #tpu.memory_space<vmem>> -> memref<1024xi32, #tpu.memory_space<vmem>>
    %dma_wait3A_262 = arith.constant 0 : i32
    %dma_wait3A_263 = tpu.memref_slice %arg3[%dma_wait3A_262] : memref<8388608xf32, #tpu.memory_space<hbm>> -> memref<8388608xf32, #tpu.memory_space<hbm>>
    tpu.wait_indirect_dma semaphore(%arg37 : memref<!tpu.dma_semaphore, #tpu.memory_space<semaphore_mem>>) src(%dma_wait3A_263 : memref<8388608xf32, #tpu.memory_space<hbm>>) dst(%dma_wait3A_259 : memref<1024xf32, #tpu.memory_space<vmem>>)
    %dma_wait3A_264 = arith.constant 1024 : i32
    %dma_wait3A_265 = tpu.memref_slice %arg29[%dma_wait3A_264] : memref<2048xf32, #tpu.memory_space<vmem>> -> memref<1024xf32, #tpu.memory_space<vmem>>
    %dma_wait3A_266 = arith.constant 1024 : i32
    %dma_wait3A_267 = tpu.memref_slice %arg21[%dma_wait3A_266] : memref<2048xi32, #tpu.memory_space<vmem>> -> memref<1024xi32, #tpu.memory_space<vmem>>
    %dma_wait3A_268 = arith.constant 0 : i32
    %dma_wait3A_269 = tpu.memref_slice %arg3[%dma_wait3A_268] : memref<8388608xf32, #tpu.memory_space<hbm>> -> memref<8388608xf32, #tpu.memory_space<hbm>>
    tpu.wait_indirect_dma semaphore(%arg37 : memref<!tpu.dma_semaphore, #tpu.memory_space<semaphore_mem>>) src(%dma_wait3A_269 : memref<8388608xf32, #tpu.memory_space<hbm>>) dst(%dma_wait3A_265 : memref<1024xf32, #tpu.memory_space<vmem>>)
    %scan3A_270 = arith.constant 64 : i32
    %scan3A_271 = arith.constant 64 : i32
    %scan3A_272 = arith.addi %scan3A_270, %scan3A_271 : i32
    %scan3A_273 = arith.constant 1 : i32
    %scan3A_274 = scf.for %scan3A_305 = %scan3A_270 to %scan3A_272 step %scan3A_273 iter_args(%scan3A_306 = %scan3A_220) -> (vector<16xf32>)  : i32 {
      %mul3A_307 = arith.constant 16 : i32
      %mul3A_308 = arith.muli %scan3A_305, %mul3A_307 : i32
      %get3A = arith.index_cast %mul3A_308 : i32 to index
      %get3A_309 = tpu.vector_load %arg22[%get3A] {strides = array<i32>} : memref<2048xf32, #tpu.memory_space<vmem>>, vector<16xf32>,
      %get3A_310 = vector.shape_cast %get3A_309 : vector<16xf32> to vector<16xf32>
      %get3A_311 = arith.index_cast %mul3A_308 : i32 to index
      %get3A_312 = tpu.vector_load %arg23[%get3A_311] {strides = array<i32>} : memref<2048xf32, #tpu.memory_space<vmem>>, vector<16xf32>,
      %get3A_313 = vector.shape_cast %get3A_312 : vector<16xf32> to vector<16xf32>
      %get3A_314 = arith.index_cast %mul3A_308 : i32 to index
      %get3A_315 = tpu.vector_load %arg24[%get3A_314] {strides = array<i32>} : memref<2048xf32, #tpu.memory_space<vmem>>, vector<16xf32>,
      %get3A_316 = vector.shape_cast %get3A_315 : vector<16xf32> to vector<16xf32>
      %get3A_317 = arith.index_cast %mul3A_308 : i32 to index
      %get3A_318 = tpu.vector_load %arg25[%get3A_317] {strides = array<i32>} : memref<2048xf32, #tpu.memory_space<vmem>>, vector<16xf32>,
      %get3A_319 = vector.shape_cast %get3A_318 : vector<16xf32> to vector<16xf32>
      %get3A_320 = arith.index_cast %mul3A_308 : i32 to index
      %get3A_321 = tpu.vector_load %arg26[%get3A_320] {strides = array<i32>} : memref<2048xf32, #tpu.memory_space<vmem>>, vector<16xf32>,
      %get3A_322 = vector.shape_cast %get3A_321 : vector<16xf32> to vector<16xf32>
      %get3A_323 = arith.index_cast %mul3A_308 : i32 to index
      %get3A_324 = tpu.vector_load %arg27[%get3A_323] {strides = array<i32>} : memref<2048xf32, #tpu.memory_space<vmem>>, vector<16xf32>,
      %get3A_325 = vector.shape_cast %get3A_324 : vector<16xf32> to vector<16xf32>
      %get3A_326 = arith.index_cast %mul3A_308 : i32 to index
      %get3A_327 = tpu.vector_load %arg28[%get3A_326] {strides = array<i32>} : memref<2048xf32, #tpu.memory_space<vmem>>, vector<16xf32>,
      %get3A_328 = vector.shape_cast %get3A_327 : vector<16xf32> to vector<16xf32>
      %get3A_329 = arith.index_cast %mul3A_308 : i32 to index
      %get3A_330 = tpu.vector_load %arg29[%get3A_329] {strides = array<i32>} : memref<2048xf32, #tpu.memory_space<vmem>>, vector<16xf32>,
      %get3A_331 = vector.shape_cast %get3A_330 : vector<16xf32> to vector<16xf32>
      %get3A_332 = arith.index_cast %mul3A_308 : i32 to index
      %get3A_333 = tpu.vector_load %arg11[%get3A_332] {strides = array<i32>} : memref<2048xf32, #tpu.memory_space<vmem>>, vector<16xf32>,
      %get3A_334 = vector.shape_cast %get3A_333 : vector<16xf32> to vector<16xf32>
      %get3A_335 = arith.index_cast %mul3A_308 : i32 to index
      %get3A_336 = tpu.vector_load %arg12[%get3A_335] {strides = array<i32>} : memref<2048xf32, #tpu.memory_space<vmem>>, vector<16xf32>,
      %get3A_337 = vector.shape_cast %get3A_336 : vector<16xf32> to vector<16xf32>
      %get3A_338 = arith.index_cast %mul3A_308 : i32 to index
      %get3A_339 = tpu.vector_load %arg13[%get3A_338] {strides = array<i32>} : memref<2048xf32, #tpu.memory_space<vmem>>, vector<16xf32>,
      %get3A_340 = vector.shape_cast %get3A_339 : vector<16xf32> to vector<16xf32>
      %sub3A_341 = arith.constant 1.000000e+00 : f32
      %sub3A_342 = vector.broadcast %sub3A_341 : f32 to vector<16xf32>
      %sub3A_343 = arith.subf %sub3A_342, %get3A_334 : vector<16xf32>
      %sub3A_344 = arith.constant 1.000000e+00 : f32
      %sub3A_345 = vector.broadcast %sub3A_344 : f32 to vector<16xf32>
      %sub3A_346 = arith.subf %sub3A_345, %get3A_337 : vector<16xf32>
      %sub3A_347 = arith.constant 1.000000e+00 : f32
      %sub3A_348 = vector.broadcast %sub3A_347 : f32 to vector<16xf32>
      %sub3A_349 = arith.subf %sub3A_348, %get3A_340 : vector<16xf32>
      %mul3A_350 = arith.mulf %sub3A_346, %sub3A_349 : vector<16xf32>
      %mul3A_351 = arith.mulf %sub3A_346, %get3A_340 : vector<16xf32>
      %mul3A_352 = arith.mulf %get3A_337, %sub3A_349 : vector<16xf32>
      %mul3A_353 = arith.mulf %get3A_337, %get3A_340 : vector<16xf32>
      %mul3A_354 = arith.mulf %get3A_310, %mul3A_350 : vector<16xf32>
      %mul3A_355 = arith.mulf %get3A_313, %mul3A_351 : vector<16xf32>
      %add3A_356 = arith.addf %mul3A_354, %mul3A_355 : vector<16xf32>
      %mul3A_357 = arith.mulf %get3A_316, %mul3A_352 : vector<16xf32>
      %add3A_358 = arith.addf %add3A_356, %mul3A_357 : vector<16xf32>
      %mul3A_359 = arith.mulf %get3A_319, %mul3A_353 : vector<16xf32>
      %add3A_360 = arith.addf %add3A_358, %mul3A_359 : vector<16xf32>
      %mul3A_361 = arith.mulf %get3A_322, %mul3A_350 : vector<16xf32>
      %mul3A_362 = arith.mulf %get3A_325, %mul3A_351 : vector<16xf32>
      %add3A_363 = arith.addf %mul3A_361, %mul3A_362 : vector<16xf32>
      %mul3A_364 = arith.mulf %get3A_328, %mul3A_352 : vector<16xf32>
      %add3A_365 = arith.addf %add3A_363, %mul3A_364 : vector<16xf32>
      %mul3A_366 = arith.mulf %get3A_331, %mul3A_353 : vector<16xf32>
      %add3A_367 = arith.addf %add3A_365, %mul3A_366 : vector<16xf32>
      %mul3A_368 = arith.mulf %sub3A_343, %add3A_360 : vector<16xf32>
      %mul3A_369 = arith.mulf %get3A_334, %add3A_367 : vector<16xf32>
      %add3A_370 = arith.addf %mul3A_368, %mul3A_369 : vector<16xf32>
      %sub3A_371 = arith.subf %add3A_367, %add3A_360 : vector<16xf32>
      %sub3A_372 = arith.subf %get3A_316, %get3A_310 : vector<16xf32>
      %mul3A_373 = arith.mulf %sub3A_372, %sub3A_349 : vector<16xf32>
      %sub3A_374 = arith.subf %get3A_319, %get3A_313 : vector<16xf32>
      %mul3A_375 = arith.mulf %sub3A_374, %get3A_340 : vector<16xf32>
      %add3A_376 = arith.addf %mul3A_373, %mul3A_375 : vector<16xf32>
      %sub3A_377 = arith.subf %get3A_328, %get3A_322 : vector<16xf32>
      %mul3A_378 = arith.mulf %sub3A_377, %sub3A_349 : vector<16xf32>
      %sub3A_379 = arith.subf %get3A_331, %get3A_325 : vector<16xf32>
      %mul3A_380 = arith.mulf %sub3A_379, %get3A_340 : vector<16xf32>
      %add3A_381 = arith.addf %mul3A_378, %mul3A_380 : vector<16xf32>
      %mul3A_382 = arith.mulf %sub3A_343, %add3A_376 : vector<16xf32>
      %mul3A_383 = arith.mulf %get3A_334, %add3A_381 : vector<16xf32>
      %add3A_384 = arith.addf %mul3A_382, %mul3A_383 : vector<16xf32>
      %sub3A_385 = arith.subf %get3A_313, %get3A_310 : vector<16xf32>
      %mul3A_386 = arith.mulf %sub3A_385, %sub3A_346 : vector<16xf32>
      %sub3A_387 = arith.subf %get3A_319, %get3A_316 : vector<16xf32>
      %mul3A_388 = arith.mulf %sub3A_387, %get3A_337 : vector<16xf32>
      %add3A_389 = arith.addf %mul3A_386, %mul3A_388 : vector<16xf32>
      %sub3A_390 = arith.subf %get3A_325, %get3A_322 : vector<16xf32>
      %mul3A_391 = arith.mulf %sub3A_390, %sub3A_346 : vector<16xf32>
      %sub3A_392 = arith.subf %get3A_331, %get3A_328 : vector<16xf32>
      %mul3A_393 = arith.mulf %sub3A_392, %get3A_337 : vector<16xf32>
      %add3A_394 = arith.addf %mul3A_391, %mul3A_393 : vector<16xf32>
      %mul3A_395 = arith.mulf %sub3A_343, %add3A_389 : vector<16xf32>
      %mul3A_396 = arith.mulf %get3A_334, %add3A_394 : vector<16xf32>
      %add3A_397 = arith.addf %mul3A_395, %mul3A_396 : vector<16xf32>
      %mul3A_398 = arith.mulf %sub3A_371, %sub3A_371 : vector<16xf32>
      %mul3A_399 = arith.mulf %add3A_384, %add3A_384 : vector<16xf32>
      %add3A_400 = arith.addf %mul3A_398, %mul3A_399 : vector<16xf32>
      %mul3A_401 = arith.mulf %add3A_397, %add3A_397 : vector<16xf32>
      %add3A_402 = arith.addf %add3A_400, %mul3A_401 : vector<16xf32>
      %bitcast_convert_type3A = tpu.bitcast %add3A_402 : vector<16xf32> -> vector<16xi32>
      %shift_right_logical3A = arith.constant 1 : i32
      %shift_right_logical3A_403 = vector.broadcast %shift_right_logical3A : i32 to vector<16xi32>
      %shift_right_logical3A_404 = arith.shrui %bitcast_convert_type3A, %shift_right_logical3A_403 : vector<16xi32>
      %sub3A_405 = arith.constant 1597463007 : i32
      %sub3A_406 = vector.broadcast %sub3A_405 : i32 to vector<16xi32>
      %sub3A_407 = arith.subi %sub3A_406, %shift_right_logical3A_404 : vector<16xi32>
      %bitcast_convert_type3A_408 = tpu.bitcast %sub3A_407 : vector<16xi32> -> vector<16xf32>
      %mul3A_409 = arith.constant 5.000000e-01 : f32
      %mul3A_410 = vector.broadcast %mul3A_409 : f32 to vector<16xf32>
      %mul3A_411 = arith.mulf %add3A_402, %mul3A_410 : vector<16xf32>
      %mul3A_412 = arith.mulf %mul3A_411, %bitcast_convert_type3A_408 : vector<16xf32>
      %mul3A_413 = arith.mulf %mul3A_412, %bitcast_convert_type3A_408 : vector<16xf32>
      %sub3A_414 = arith.constant 1.500000e+00 : f32
      %sub3A_415 = vector.broadcast %sub3A_414 : f32 to vector<16xf32>
      %sub3A_416 = arith.subf %sub3A_415, %mul3A_413 : vector<16xf32>
      %mul3A_417 = arith.mulf %bitcast_convert_type3A_408, %sub3A_416 : vector<16xf32>
      %mul3A_418 = arith.mulf %mul3A_411, %mul3A_417 : vector<16xf32>
      %mul3A_419 = arith.mulf %mul3A_418, %mul3A_417 : vector<16xf32>
      %sub3A_420 = arith.constant 1.500000e+00 : f32
      %sub3A_421 = vector.broadcast %sub3A_420 : f32 to vector<16xf32>
      %sub3A_422 = arith.subf %sub3A_421, %mul3A_419 : vector<16xf32>
      %mul3A_423 = arith.mulf %mul3A_417, %sub3A_422 : vector<16xf32>
      %mul3A_424 = arith.mulf %mul3A_411, %mul3A_423 : vector<16xf32>
      %mul3A_425 = arith.mulf %mul3A_424, %mul3A_423 : vector<16xf32>
      %sub3A_426 = arith.constant 1.500000e+00 : f32
      %sub3A_427 = vector.broadcast %sub3A_426 : f32 to vector<16xf32>
      %sub3A_428 = arith.subf %sub3A_427, %mul3A_425 : vector<16xf32>
      %mul3A_429 = arith.mulf %mul3A_423, %sub3A_428 : vector<16xf32>
      %min3A = arith.constant 1.000000e+05 : f32
      %min3A_430 = vector.broadcast %min3A : f32 to vector<16xf32>
      %min3A_431 = arith.minimumf %mul3A_429, %min3A_430 : vector<16xf32>
      %swap3A_432 = arith.index_cast %mul3A_308 : i32 to index
      %swap3A_433 = tpu.vector_load %arg30[%swap3A_432] {strides = array<i32>} : memref<2048xf32, #tpu.memory_space<vmem>>, vector<16xf32>,
      %swap3A_434 = vector.shape_cast %swap3A_433 : vector<16xf32> to vector<16xf32>
      %swap3A_435 = vector.shape_cast %add3A_370 : vector<16xf32> to vector<16xf32>
      tpu.vector_store %arg30[%swap3A_432], %swap3A_435 {strides = array<i32>} : memref<2048xf32, #tpu.memory_space<vmem>>, vector<16xf32>,
      %mul3A_436 = arith.mulf %sub3A_371, %min3A_431 : vector<16xf32>
      %swap3A_437 = arith.index_cast %mul3A_308 : i32 to index
      %swap3A_438 = tpu.vector_load %arg31[%swap3A_437] {strides = array<i32>} : memref<2048xf32, #tpu.memory_space<vmem>>, vector<16xf32>,
      %swap3A_439 = vector.shape_cast %swap3A_438 : vector<16xf32> to vector<16xf32>
      %swap3A_440 = vector.shape_cast %mul3A_436 : vector<16xf32> to vector<16xf32>
      tpu.vector_store %arg31[%swap3A_437], %swap3A_440 {strides = array<i32>} : memref<2048xf32, #tpu.memory_space<vmem>>, vector<16xf32>,
      %mul3A_441 = arith.mulf %add3A_384, %min3A_431 : vector<16xf32>
      %swap3A_442 = arith.index_cast %mul3A_308 : i32 to index
      %swap3A_443 = tpu.vector_load %arg32[%swap3A_442] {strides = array<i32>} : memref<2048xf32, #tpu.memory_space<vmem>>, vector<16xf32>,
      %swap3A_444 = vector.shape_cast %swap3A_443 : vector<16xf32> to vector<16xf32>
      %swap3A_445 = vector.shape_cast %mul3A_441 : vector<16xf32> to vector<16xf32>
      tpu.vector_store %arg32[%swap3A_442], %swap3A_445 {strides = array<i32>} : memref<2048xf32, #tpu.memory_space<vmem>>, vector<16xf32>,
      %mul3A_446 = arith.mulf %add3A_397, %min3A_431 : vector<16xf32>
      %swap3A_447 = arith.index_cast %mul3A_308 : i32 to index
      %swap3A_448 = tpu.vector_load %arg33[%swap3A_447] {strides = array<i32>} : memref<2048xf32, #tpu.memory_space<vmem>>, vector<16xf32>,
      %swap3A_449 = vector.shape_cast %swap3A_448 : vector<16xf32> to vector<16xf32>
      %swap3A_450 = vector.shape_cast %mul3A_446 : vector<16xf32> to vector<16xf32>
      tpu.vector_store %arg33[%swap3A_447], %swap3A_450 {strides = array<i32>} : memref<2048xf32, #tpu.memory_space<vmem>>, vector<16xf32>,
      %min3A_451 = arith.constant 0.000000e+00 : f32
      %min3A_452 = vector.broadcast %min3A_451 : f32 to vector<16xf32>
      %min3A_453 = arith.minimumf %add3A_370, %min3A_452 : vector<16xf32>
      %add3A_454 = arith.addf %scan3A_306, %min3A_453 : vector<16xf32>
      scf.yield %add3A_454 : vector<16xf32>
    }
    %scan3A_275 = arith.constant 64 : i32
    %swap3A = arith.constant 0 : index
    %swap3A_276 = tpu.vector_load %arg35[%swap3A] {strides = array<i32>} : memref<16xf32, #tpu.memory_space<vmem>>, vector<16xf32>,
    %swap3A_277 = vector.shape_cast %swap3A_276 : vector<16xf32> to vector<16xf32>
    %swap3A_278 = vector.shape_cast %scan3A_274 : vector<16xf32> to vector<16xf32>
    tpu.vector_store %arg35[%swap3A], %swap3A_278 {strides = array<i32>} : memref<16xf32, #tpu.memory_space<vmem>>, vector<16xf32>,
    %mul3A_279 = arith.constant 16384 : i32
    %mul3A_280 = arith.muli %select_n3A, %mul3A_279 : i32
    %add3A_281 = arith.addi %mul3A_280, %mul3A_32 : i32
    "tpu.region"() ({
      %run_scoped3A = tpu.sem_alloc : memref<!tpu.dma_semaphore, #tpu.memory_space<semaphore_mem>>
      %dma_start3A_305 = tpu.memref_slice %arg5[%add3A_281] : memref<65536xf32, #tpu.memory_space<hbm>> -> memref<2048xf32, #tpu.memory_space<hbm>>
      %dma_start3A_306 = tpu.memref_slice %arg5[%add3A_281] : memref<65536xf32, #tpu.memory_space<hbm>> -> memref<2048xf32, #tpu.memory_space<hbm>>
      tpu.enqueue_dma source(%arg30 : memref<2048xf32, #tpu.memory_space<vmem>>) target(%dma_start3A_306 : memref<2048xf32, #tpu.memory_space<hbm>>) target_semaphore(%run_scoped3A : memref<!tpu.dma_semaphore, #tpu.memory_space<semaphore_mem>>)
      %dma_wait3A_307 = tpu.memref_slice %arg5[%add3A_281] : memref<65536xf32, #tpu.memory_space<hbm>> -> memref<2048xf32, #tpu.memory_space<hbm>>
      %dma_wait3A_308 = tpu.memref_slice %arg5[%add3A_281] : memref<65536xf32, #tpu.memory_space<hbm>> -> memref<2048xf32, #tpu.memory_space<hbm>>
      tpu.wait_dma2 semaphore(%run_scoped3A : memref<!tpu.dma_semaphore, #tpu.memory_space<semaphore_mem>>) src(%arg30 : memref<2048xf32, #tpu.memory_space<vmem>>) dst(%dma_wait3A_308 : memref<2048xf32, #tpu.memory_space<hbm>>)
      tpu.yield
    }) : () -> ()
    %mul3A_282 = arith.constant 3 : i32
    %mul3A_283 = arith.muli %select_n3A, %mul3A_282 : i32
    %add3A_284 = arith.constant 0 : i32
    %add3A_285 = arith.addi %mul3A_283, %add3A_284 : i32
    %mul3A_286 = arith.constant 16384 : i32
    %mul3A_287 = arith.muli %add3A_285, %mul3A_286 : i32
    %add3A_288 = arith.addi %mul3A_287, %mul3A_32 : i32
    "tpu.region"() ({
      %run_scoped3A = tpu.sem_alloc : memref<!tpu.dma_semaphore, #tpu.memory_space<semaphore_mem>>
      %dma_start3A_305 = tpu.memref_slice %arg6[%add3A_288] : memref<196608xf32, #tpu.memory_space<hbm>> -> memref<2048xf32, #tpu.memory_space<hbm>>
      %dma_start3A_306 = tpu.memref_slice %arg6[%add3A_288] : memref<196608xf32, #tpu.memory_space<hbm>> -> memref<2048xf32, #tpu.memory_space<hbm>>
      tpu.enqueue_dma source(%arg31 : memref<2048xf32, #tpu.memory_space<vmem>>) target(%dma_start3A_306 : memref<2048xf32, #tpu.memory_space<hbm>>) target_semaphore(%run_scoped3A : memref<!tpu.dma_semaphore, #tpu.memory_space<semaphore_mem>>)
      %dma_wait3A_307 = tpu.memref_slice %arg6[%add3A_288] : memref<196608xf32, #tpu.memory_space<hbm>> -> memref<2048xf32, #tpu.memory_space<hbm>>
      %dma_wait3A_308 = tpu.memref_slice %arg6[%add3A_288] : memref<196608xf32, #tpu.memory_space<hbm>> -> memref<2048xf32, #tpu.memory_space<hbm>>
      tpu.wait_dma2 semaphore(%run_scoped3A : memref<!tpu.dma_semaphore, #tpu.memory_space<semaphore_mem>>) src(%arg31 : memref<2048xf32, #tpu.memory_space<vmem>>) dst(%dma_wait3A_308 : memref<2048xf32, #tpu.memory_space<hbm>>)
      tpu.yield
    }) : () -> ()
    %mul3A_289 = arith.constant 3 : i32
    %mul3A_290 = arith.muli %select_n3A, %mul3A_289 : i32
    %add3A_291 = arith.constant 1 : i32
    %add3A_292 = arith.addi %mul3A_290, %add3A_291 : i32
    %mul3A_293 = arith.constant 16384 : i32
    %mul3A_294 = arith.muli %add3A_292, %mul3A_293 : i32
    %add3A_295 = arith.addi %mul3A_294, %mul3A_32 : i32
    "tpu.region"() ({
      %run_scoped3A = tpu.sem_alloc : memref<!tpu.dma_semaphore, #tpu.memory_space<semaphore_mem>>
      %dma_start3A_305 = tpu.memref_slice %arg6[%add3A_295] : memref<196608xf32, #tpu.memory_space<hbm>> -> memref<2048xf32, #tpu.memory_space<hbm>>
      %dma_start3A_306 = tpu.memref_slice %arg6[%add3A_295] : memref<196608xf32, #tpu.memory_space<hbm>> -> memref<2048xf32, #tpu.memory_space<hbm>>
      tpu.enqueue_dma source(%arg32 : memref<2048xf32, #tpu.memory_space<vmem>>) target(%dma_start3A_306 : memref<2048xf32, #tpu.memory_space<hbm>>) target_semaphore(%run_scoped3A : memref<!tpu.dma_semaphore, #tpu.memory_space<semaphore_mem>>)
      %dma_wait3A_307 = tpu.memref_slice %arg6[%add3A_295] : memref<196608xf32, #tpu.memory_space<hbm>> -> memref<2048xf32, #tpu.memory_space<hbm>>
      %dma_wait3A_308 = tpu.memref_slice %arg6[%add3A_295] : memref<196608xf32, #tpu.memory_space<hbm>> -> memref<2048xf32, #tpu.memory_space<hbm>>
      tpu.wait_dma2 semaphore(%run_scoped3A : memref<!tpu.dma_semaphore, #tpu.memory_space<semaphore_mem>>) src(%arg32 : memref<2048xf32, #tpu.memory_space<vmem>>) dst(%dma_wait3A_308 : memref<2048xf32, #tpu.memory_space<hbm>>)
      tpu.yield
    }) : () -> ()
    %mul3A_296 = arith.constant 3 : i32
    %mul3A_297 = arith.muli %select_n3A, %mul3A_296 : i32
    %add3A_298 = arith.constant 2 : i32
    %add3A_299 = arith.addi %mul3A_297, %add3A_298 : i32
    %mul3A_300 = arith.constant 16384 : i32
    %mul3A_301 = arith.muli %add3A_299, %mul3A_300 : i32
    %add3A_302 = arith.addi %mul3A_301, %mul3A_32 : i32
    "tpu.region"() ({
      %run_scoped3A = tpu.sem_alloc : memref<!tpu.dma_semaphore, #tpu.memory_space<semaphore_mem>>
      %dma_start3A_305 = tpu.memref_slice %arg6[%add3A_302] : memref<196608xf32, #tpu.memory_space<hbm>> -> memref<2048xf32, #tpu.memory_space<hbm>>
      %dma_start3A_306 = tpu.memref_slice %arg6[%add3A_302] : memref<196608xf32, #tpu.memory_space<hbm>> -> memref<2048xf32, #tpu.memory_space<hbm>>
      tpu.enqueue_dma source(%arg33 : memref<2048xf32, #tpu.memory_space<vmem>>) target(%dma_start3A_306 : memref<2048xf32, #tpu.memory_space<hbm>>) target_semaphore(%run_scoped3A : memref<!tpu.dma_semaphore, #tpu.memory_space<semaphore_mem>>)
      %dma_wait3A_307 = tpu.memref_slice %arg6[%add3A_302] : memref<196608xf32, #tpu.memory_space<hbm>> -> memref<2048xf32, #tpu.memory_space<hbm>>
      %dma_wait3A_308 = tpu.memref_slice %arg6[%add3A_302] : memref<196608xf32, #tpu.memory_space<hbm>> -> memref<2048xf32, #tpu.memory_space<hbm>>
      tpu.wait_dma2 semaphore(%run_scoped3A : memref<!tpu.dma_semaphore, #tpu.memory_space<semaphore_mem>>) src(%arg33 : memref<2048xf32, #tpu.memory_space<vmem>>) dst(%dma_wait3A_308 : memref<2048xf32, #tpu.memory_space<hbm>>)
      tpu.yield
    }) : () -> ()
    %mul3A_303 = arith.constant 16 : i32
    %mul3A_304 = arith.muli %add3A, %mul3A_303 : i32
    "tpu.region"() ({
      %run_scoped3A = tpu.sem_alloc : memref<!tpu.dma_semaphore, #tpu.memory_space<semaphore_mem>>
      %dma_start3A_305 = tpu.memref_slice %arg7[%mul3A_304] : memref<512xf32, #tpu.memory_space<hbm>> -> memref<16xf32, #tpu.memory_space<hbm>>
      %dma_start3A_306 = tpu.memref_slice %arg7[%mul3A_304] : memref<512xf32, #tpu.memory_space<hbm>> -> memref<16xf32, #tpu.memory_space<hbm>>
      tpu.enqueue_dma source(%arg35 : memref<16xf32, #tpu.memory_space<vmem>>) target(%dma_start3A_306 : memref<16xf32, #tpu.memory_space<hbm>>) target_semaphore(%run_scoped3A : memref<!tpu.dma_semaphore, #tpu.memory_space<semaphore_mem>>)
      %dma_wait3A_307 = tpu.memref_slice %arg7[%mul3A_304] : memref<512xf32, #tpu.memory_space<hbm>> -> memref<16xf32, #tpu.memory_space<hbm>>
      %dma_wait3A_308 = tpu.memref_slice %arg7[%mul3A_304] : memref<512xf32, #tpu.memory_space<hbm>> -> memref<16xf32, #tpu.memory_space<hbm>>
      tpu.wait_dma2 semaphore(%run_scoped3A : memref<!tpu.dma_semaphore, #tpu.memory_space<semaphore_mem>>) src(%arg35 : memref<16xf32, #tpu.memory_space<vmem>>) dst(%dma_wait3A_308 : memref<16xf32, #tpu.memory_space<hbm>>)
      tpu.yield
    }) : () -> ()
    return
  }
}

</mosaic_0001>

<sc_bundles>
// kernel: kernel.3.cloned.1.call-start
scs
__scs_entry_jumppad:
0x0: {  	(pc) =	sbr.rel $0x88, $3  }
0x1: {  	(tag) =	ssettag $0x0;
	lr =	simm.s32 $0x1  }
0x2: {  	[smem:$0x3F9C] =	sst lr;
	_ =	strace $0xD0000000  }
0x3: {  	_ = 	snop  }
0x4: {  	_ = 	snop  }
0x5: {  	_ = 	snop  }
0x6: {  	_ = 	snop  }
0x7: {  	_ = 	snop  }
__scs_overlays_trampoline_lowered:
0x8: {  	[smem:$0x3FAB] =	sst s0  }
0x9: {  	[smem:$0x3FAC] =	sst s1  }
0xa: {  	[smem:$0x3FAD] =	sst s2  }
0xb: {  	[smem:$0x3FAE] =	sst s3  }
0xc: {  	[smem:$0x3FAF] =	sst s4  }
0xd: {  	[smem:$0x3FB0] =	sst s5  }
0xe: {  	[smem:$0x3FB1] =	sst s6  }
0xf: {  	[smem:$0x3FB2] =	sst s7  }
0x10: {  	[smem:$0x3FB3] =	sst s8  }
0x11: {  	[smem:$0x3FB4] =	sst s9;
	s0 =	simm.s32 @!p0 $0x0  }
0x12: {  	s1 =	sld [smem:$0x3F9A];
	s0 =	simm.s32 @p0 $0x1  }
0x13: {  	[smem:$0x3FB5] =	sst s0;
	s0 =	simm.s32 @!p1 $0x0  }
0x14: {  	s2 =	sld [smem:$0x3F99];
	s0 =	simm.s32 @p1 $0x1  }
0x15: {  	[smem:$0x3FB6] =	sst s0;
	s0 =	simm.s32 @!p2 $0x0  }
0x16: {  	s3 =	sld [smem:$0x3FDB];
	s0 =	simm.s32 @p2 $0x1  }
0x17: {  	s4 =	simm.s32 $0x1BF5;
	[smem:$0x3FB8] =	sst s0  }
0x18: {  	s0 =	sld [smem:$0x3F9B];
	_ =	swait.ge [sflag:s4], $0x0  }
0x19: {  	s7 =	sld [smem:$0x3F9C]  }
0x1a: {  	s8 =	sadd.s32 $0xFFFFE003, lr  }
0x1b: {  	s9 =	sadd.s32 $0xFFFFFEF7, lr;
	s5 =	simm.s32 $0xFFFFFFFF;
	p2 =	slt.u32 s8, $0xFFFFF086  }
0x1c: {  	p1 =	slt.u32 s9, $0xF7A;
	s5 =	simm.s32 @!p2 $0x0  }
0x1d: {  	s5 =	simm.s32 @p1 $0x1;
	p0 =	seq.s32 s7, s2  }
0x1e: {  	s7 =	smul.u32 @!p0 $0xF7A, s2;
	p2 =	seq.s32 @!p0 s5, $0x0  }
0x1f: {  	s9 =	smul.u32 $0xF7A, s1;
	s8 =	simm.s32 @!p0 $0x1BF5;
	p2 =	por !p2, p0  }
0x20: {  	[sflag:s8] =	ssyncset.s32 @!p0 $0xFFFFF086;
	s6 =	sadd.s32 @!p0 s3, s7;
	s7 =	simm.s32 @!p0 $0x108  }
0x21: {  	s3 =	sadd.s32 s3, s9;
	s6 =	sadd.s32 @!p0 $0x88, s6;
	s7 =	simm.s32 @p2 $0x1082  }
0x22: {  	[simem:s7], [sflag:s8] =	dma.local @!p0 [hbm:s6], $0xF7A  }
0x23: {  	s9 =	sor.u32 $0xD0000000, s2;
	s6 =	simm.s32 $0x108;
	_ =	swait.ge @!p0 [sflag:s8], $0x0  }
0x24: {  	s3 =	sadd.s32 $0x88, s3;
	s6 =	simm.s32 @!p1 $0x1082;
	[sflag:s4] =	ssyncset.s32 $0xFFFFF086  }
0x25: {  	[simem:s6], [sflag:s4] =	dma.local [hbm:s3], $0xF7A  }
0x26: {  	[smem:$0x3F9C] =	sst s1;
	(tag) =	ssettag s2;
	_ =	strace s9  }
0x27: {  	s1 =	sld [smem:$0x3FAC]  }
0x28: {  	s2 =	sld [smem:$0x3FAD]  }
0x29: {  	s4 =	sld [smem:$0x3FAF]  }
0x2a: {  	p0 =	seq.s32 s5, $0x0;
	s5 =	sld [smem:$0x3FB0]  }
0x2b: {  	s6 =	sld [smem:$0x3FB1]  }
0x2c: {  	s7 =	sld [smem:$0x3FB2]  }
0x2d: {  	s3 =	simm.s32 $0x108;
	s8 =	sld [smem:$0x3FB3]  }
0x2e: {  	s3 =	simm.s32 @!p0 $0x1082;
	s9 =	sld [smem:$0x3FB4]  }
0x2f: {  	lr =	sadd.s32 s0, s3;
	s0 =	sld [smem:$0x3FAB]  }
0x30: {  	s3 =	sld [smem:$0x3FAE]  }
0x31: {  	[smem:$0x3FB7] =	sst s10  }
0x32: {  	s10 =	sld [smem:$0x3FB5];
	_ =	sdelay $0x3  }
0x33: {  	p0 =	seq.s32 s10, $0x1;
	s10 =	sld [smem:$0x3FB7];
	_ =	sdelay $0x3  }
0x34: {  	[smem:$0x3FB7] =	sst s10  }
0x35: {  	s10 =	sld [smem:$0x3FB6];
	_ =	sdelay $0x3  }
0x36: {  	p1 =	seq.s32 s10, $0x1;
	s10 =	sld [smem:$0x3FB7];
	_ =	sdelay $0x3  }
0x37: {  	[smem:$0x3FB7] =	sst s10  }
0x38: {  	s10 =	sld [smem:$0x3FB8]  }
0x39: {  	_ = 	snop;
	(pc) =	sbr.ind lr, $3  }
0x3a: {  	_ = 	snop  }
0x3b: {  	_ = 	snop  }
0x3c: {  	p2 =	seq.s32 s10, $0x1;
	s10 =	sld [smem:$0x3FB7]  }
0x3d: {  	_ =	shalt  }
0x3e: {  	_ =	shalt  }
0x3f: {  	_ =	shalt  }
0x40: {  	_ =	shalt  }
0x41: {  	_ =	shalt  }
0x42: {  	_ =	shalt  }
0x43: {  	_ =	shalt  }
0x44: {  	_ =	shalt  }
0x45: {  	_ =	shalt  }
0x46: {  	_ =	shalt  }
0x47: {  	_ =	shalt  }
0x48: {  	_ =	shalt  }
0x49: {  	_ =	shalt  }
0x4a: {  	_ =	shalt  }
0x4b: {  	_ =	shalt  }
0x4c: {  	_ =	shalt  }
0x4d: {  	_ =	shalt  }
0x4e: {  	_ =	shalt  }
0x4f: {  	_ =	shalt  }
0x50: {  	_ =	shalt  }
0x51: {  	_ =	shalt  }
0x52: {  	_ =	shalt  }
0x53: {  	_ =	shalt  }
0x54: {  	_ =	shalt  }
0x55: {  	_ =	shalt  }
0x56: {  	_ =	shalt  }
0x57: {  	_ =	shalt  }
0x58: {  	_ =	shalt  }
0x59: {  	_ =	shalt  }
0x5a: {  	_ =	shalt  }
0x5b: {  	_ =	shalt  }
0x5c: {  	_ =	shalt  }
0x5d: {  	_ =	shalt  }
0x5e: {  	_ =	shalt  }
0x5f: {  	_ =	shalt  }
0x60: {  	_ =	shalt  }
0x61: {  	_ =	shalt  }
0x62: {  	_ =	shalt  }
0x63: {  	_ =	shalt  }
0x64: {  	_ =	shalt  }
0x65: {  	_ =	shalt  }
0x66: {  	_ =	shalt  }
0x67: {  	_ =	shalt  }
0x68: {  	_ =	shalt  }
0x69: {  	_ =	shalt  }
0x6a: {  	_ =	shalt  }
0x6b: {  	_ =	shalt  }
0x6c: {  	_ =	shalt  }
0x6d: {  	_ =	shalt  }
0x6e: {  	_ =	shalt  }
0x6f: {  	_ =	shalt  }
0x70: {  	_ =	shalt  }
0x71: {  	_ =	shalt  }
0x72: {  	_ =	shalt  }
0x73: {  	_ =	shalt  }
0x74: {  	_ =	shalt  }
0x75: {  	_ =	shalt  }
0x76: {  	_ =	shalt  }
0x77: {  	_ =	shalt  }
0x78: {  	_ =	shalt  }
0x79: {  	_ =	shalt  }
0x7a: {  	_ =	shalt  }
0x7b: {  	_ =	shalt  }
0x7c: {  	_ =	shalt  }
0x7d: {  	_ =	shalt  }
0x7e: {  	_ =	shalt  }
0x7f: {  	_ =	shalt  }
0x80: {  	_ =	shalt  }
0x81: {  	_ =	shalt  }
0x82: {  	_ =	shalt  }
0x83: {  	_ =	shalt  }
0x84: {  	_ =	shalt  }
0x85: {  	_ =	shalt  }
0x86: {  	_ =	shalt  }
0x87: {  	_ =	shalt  }
.Lfunc_end0:
.L_simem_size_0:
called_computation_lowered:
.L_overlay_start_0:
0x88: {  	s2 =	sld [smem:$0x3FD9]  }
0x89: {  	s3 =	sld [smem:$0x3FFE];
	_ =	sdelay $0x1  }
0x8a: {  	s1 =	srdreg.scid  }
0x8b: {  	s0 =	sand.u32 $0x1, s1  }
0x8c: {  	s14 =	sshll.u32 s0, $0xA;
	s2 =	sadd.s32 s3, s2  }
0x8d: {  	s2 =	sadd.s32 s2, s14  }
0x8e: {  	[smem:$0x3FC3] =	sst s2  }
0x8f: {  	_ = 	snop  }
0x90: {  	s2 =	sld [smem:$0x3FD0];
	_ =	sdelay $0x2  }
0x91: {  	s4 =	simm.s32 $0xA;
	s5 =	simm.s32 $0x10;
	s15 =	sld [smem:$0x3FC8]  }
0x92: {  	[smem:s5], [sflag:s4] =	dma.local [hbm:s2], $0x1  }
0x93: {  	_ =	swait.eq [sflag:s4], $0x1  }
0x94: {  	[sflag:s4] =	ssyncset.done $0x0  }
0x95: {  	s16 =	sld [smem:$0x10];
	[sflag:s4] =	ssyncadd.s32 $0xFFFFFFFF  }
0x96: {  	s17 =	sld [smem:$0x11];
	(tm) =	ssettm $0x1  }
0x97: {  	s18 =	sld [smem:$0x3FFB];
	_ =	sdelay $0x3  }
0x98: {  	_ =	strace s18  }
0x99: {  	s5 =	sld [smem:$0x3FFC];
	_ =	sdelay $0x3  }
0x9a: {  	_ =	strace s5  }
0x9b: {  	s5 =	sld [smem:$0x3FFD];
	_ =	sdelay $0x3  }
0x9c: {  	_ =	strace s5  }
0x9d: {  	_ =	strace $0x8FFFFFFF  }
0x9e: {  	s19 =	sld [smem:$0x3FDB];
	_ =	sdelay $0x1  }
0x9f: {  	s6 =	simm.s32 $_scs_section_size  }
0xa0: {  	s7 =	simm.s32 $_size__tile_overlayer_lowered;
	s8 =	simm.s32 $_tile_overlayer_lowered  }
0xa1: {  	s22 =	simm.s32 $0x1BFF;
	s21 =	sshll.u32 s8, $0x1;
	s5 =	sadd.s32 s6, s19  }
0xa2: {  	s9 =	simm.s32 $0x0;
	s20 =	sshll.u32 s7, $0x1;
	s7 =	sadd.s32 s21, s5  }
0xa3: {  	[timem:s9], [sflag:s22] =	dma.local [hbm:s7], s20  }
0xa4: {  	_ =	swait.ge [sflag:s22], s20  }
0xa5: {  	s6 =	ssub.s32 $0x0, s20;
	[sflag:s22] =	ssyncset.done $0x0  }
0xa6: {  	[sflag:s22] =	ssyncadd.s32 s6;
	_ =	sdelay $0x1  }
0xa7: {  	s23 =	simm.s32 $0x1B8B  }
0xa8: {  	_ =	swait.ge [sflag:s23], $0x1  }
0xa9: {  	[sflag:s23] =	ssyncset.done $0x0  }
0xaa: {  	s25 =	simm.s32 $0x1B8E;
	s24 =	sld [smem:$0x3FFE];
	[sflag:s23] =	ssyncadd.s32 $0xFFFFFFFF  }
0xab: {  	s26 =	simm.s32 $execute0_lowered;
	[smem:$0x3FD2] =	sst s25  }
0xac: {  	s7 =	sshll.u32 s26, $0x1;
	_ =	strace $0x80000046;
	[dreg:$0x1] =	wrdreg $0xFFFFFFFF  }
0xad: {  	s28 =	simm.s32 $_size_execute0_lowered;
	s5 =	sadd.s32 s5, s7;
	[dreg:$0x0] =	wrdreg $0x0  }
0xae: {  	s7 =	sshll.u32 s28, $0x1;
	[dreg:$0x2] =	wrdreg s5  }
0xaf: {  	[dreg:$0x3] =	wrdreg s7  }
0xb0: {  	[dreg:$0x4] =	wrdreg $0xC0  }
0xb1: {  	_ =	task [dreg:s9], $0x5FFFF  }
0xb2: {  	[dreg:$0x1] =	wrdreg $0xFFFFFFFF  }
0xb3: {  	[dreg:$0x0] =	wrdreg $0x60  }
0xb4: {  	[dreg:$0x2] =	wrdreg s17  }
0xb5: {  	[dreg:$0x3] =	wrdreg s15  }
0xb6: {  	[dreg:$0x4] =	wrdreg s16  }
0xb7: {  	[dreg:$0x5] =	wrdreg s24  }
0xb8: {  	[dreg:$0x6] =	wrdreg $0x9  }
0xb9: {  	_ =	task.clear_ibuf [dreg:s9], $0x7FFFF;
	_ =	strace $0x90000046  }
0xba: {  	s29 =	simm.s32 $0x9;
	_ =	strace $0x80000048  }
0xbb: {  	_ =	swait.ge [sflag:s29], $0x1  }
0xbc: {  	[sflag:s29] =	ssyncadd.s32 $0xFFFFFFFF  }
0xbd: {  	_ =	strace $0x90000048  }
0xbe: {  	_ =	sfence  }
0xbf: {  	s30 =	sld [smem:$0x0];
	_ =	sdelay $0x2  }
0xc0: {  	s31 =	sshll.u32 s1, $0xD;
	s1 =	sshrl.u32 s1, $0x2  }
0xc1: {  	s3 =	sand.u32 $0x4000, s31;
	s1 =	sadd.s32 s1, s30  }
0xc2: {  	s0 =	sor.u32 s3, s0;
	s1 =	sshll.u32 s1, $0x11  }
0xc3: {  	s0 =	sor.u32 s1, s0  }
0xc4: {  	s0 =	sadd.s32 $0x8F2B, s0  }
0xc5: {  	[sflag:s0] =	ssyncadd.remote.s32 $0x1  }
0xc6: {  	_ =	sfence.sel $0xFFFF  }
0xc7: {  	[dreg:$0x0] =	wrdreg $0xFFFFFFFF;
	(pc) =	sbr.abs _section_cstart, $3  }
0xc8: {  	[dreg:$0x1] =	wrdreg $0xFFFFFFFF  }
0xc9: {  	_ =	task.clear_ibuf [dreg:s9], $0x2FFFF;
	_ =	strace $0x9FFFFFFF  }
0xca: {  	(tm) =	ssettm $0x7FFFFFFF  }
0xcb: {  	_ =	shalt  }
tec
execute0_lowered:
.L_overlay_start_1:
0x0: {  	(tag) =	ssettag $0x1  }
0x1: {  	s2 =	rddreg [dreg:$0x0]  }
0x2: {  	s1 =	rddreg [dreg:$0x1]  }
0x3: {  	s0 =	srdreg.scid;
	s7 =	rddreg [dreg:$0x2]  }
0x4: {  	s5 =	stileid.u32;
	s26 =	rddreg [dreg:$0x3];
	s18 =	simm.s32 $0x400  }
0x5: {  	s31 =	simm.s32 $0x6400;
	s16 =	simm.s32 $0x1;
	s17 =	simm.s32 $0x2  }
0x6: {  	s19 =	simm.s32 $0xB000;
	s20 =	simm.s32 $0xB800;
	s21 =	simm.s32 $0xC000  }
0x7: {  	s23 =	simm.s32 $0xD100;
	s24 =	simm.s32 $0x0;
	s0 =	sand.u32 $0x1, s0  }
0x8: {  	s3 =	sshll.u32 s5, $0x1;
	s8 =	sshrl.u32 s5, $0x2;
	s11 =	sadd.s32 $0x2600, s26  }
0x9: {  	s4 =	sor.u32 s0, s3;
	s9 =	sshll.u32 s8, $0xE;
	s10 =	smul.u32 $0xC000, s8  }
0xa: {  	s0 =	ssub.s32 $0x2, s0;
	s14 =	smul.u32 $0x12, s8;
	s22 =	sshll.u32 s8, $0x15  }
0xb: {  	s3 =	sshll.u32 s4, $0xB;
	s4 =	sshll.u32 s4, $0x1;
	s28 =	sshrl.u32 s0, $0x1  }
0xc: {  	v0 =	vmov s22;
	s22 =	simm.s32 $0xC800;
	s6 =	sand.u32 $0x3800, s3;
	s3 =	simm.s32 $0x0  }
0xd: {  	s12 =	sadd.s32 s4, s26;
	s0 =	ssub.s32 s0, s28;
	s7 =	sadd.s32 s7, s14  }
0xe: {  	s14 =	simm.s32 $0x3;
	s9 =	sor.u32 s9, s6;
	[smem:$0x7FF] =	sst s3  }
0xf: {  	s29 =	sor.u32 s10, s6;
	s12 =	sadd.s32 $0x400, s12;
	s9 =	sshrl.u32 s9, $0x3  }
0x10: {  	_ =	strace $0x80000047;
	s10 =	sshrl.u32 s29, $0x3;
	s30 =	sadd.s32 $0x4000, s29  }
0x11: {  	s6 =	sadd.s32 $0x8000, s29;
	s9 =	sadd.s32 s9, s26;
	s13 =	sshrl.u32 s30, $0x3  }
0x12: {  	s4 =	sadd.s32 s2, s10;
	s15 =	sshrl.u32 s6, $0x3;
	s5 =	sadd.s32 s2, s13  }
0x13: {  	s6 =	sadd.s32 s2, s15;
	s8 =	sadd.s32 $0x600, s9;
	s9 =	sadd.s32 s11, s10  }
0x14: {  	s10 =	sadd.s32 s11, s13;
	s11 =	sadd.s32 s11, s15;
	s13 =	smax.u32 s0, $0x1  }
0x15: {  	s2 =	simm.s32 $0xA400;
	s0 =	simm.s32 $0x6C00;
	s15 =	simm.s32 $0xAC00  }
.LBB2_1:
0x16: {  	[tilespmem:s3], [sflag:$0x3] =	stream.linear.gather [hbm4b:s4+s3], $0x800, $0x38;
	[tilespmem:$0xD180] =	vst v63  }
0x17: {  	_ =	swait.ge [sflag:s14], $0x800  }
0x18: {  	[sflag:s14] =	ssyncset.done $0x0  }
0x19: {  	s25 =	simm.s32 $0x800;
	[sflag:s14] =	ssyncadd.s32 $0xFFFFF800  }
0x1a: {  	[tilespmem:s25], [sflag:$0x3] =	stream.linear.gather [hbm4b:s5+s3], $0x800, $0x38;
	[tilespmem:$0xD180] =	vst v63  }
0x1b: {  	_ =	swait.ge [sflag:s14], $0x800  }
0x1c: {  	[sflag:s14] =	ssyncset.done $0x0  }
0x1d: {  	s29 =	simm.s32 $0x1000;
	[sflag:s14] =	ssyncadd.s32 $0xFFFFF800  }
0x1e: {  	[tilespmem:s29], [sflag:$0x3] =	stream.linear.gather [hbm4b:s6+s3], $0x800, $0x38;
	[tilespmem:$0xD180] =	vst v63  }
0x1f: {  	_ =	swait.ge [sflag:s14], $0x800  }
0x20: {  	[sflag:s14] =	ssyncset.done $0x0  }
0x21: {  	s30 =	simm.s32 $0xD000;
	[sflag:s14] =	ssyncadd.s32 $0xFFFFF800  }
0x22: {  	[tilespmem:s30], [sflag:$0x3] =	stream.linear.gather [hbm4b:s7+s3], $0x90, $0x38;
	[tilespmem:$0xD180] =	vst v63  }
0x23: {  	_ =	swait.ge [sflag:s14], $0x90  }
0x24: {  	[sflag:s14] =	ssyncset.done $0x0  }
0x25: {  	s25 =	simm.s32 $0x0;
	[sflag:s14] =	ssyncadd.s32 $0xFFFFFF70  }
0x26: {  	v1 =	vld [tilespmem:s25+$0x0]  }
0x27: {  	v2 =	vld [tilespmem:$0xD000];
	_ =	sdelay $0x1  }
0x28: {  	v3 =	vld [tilespmem:$0xD030];
	_ =	sdelay $0x1  }
0x29: {  	v4 =	vld [tilespmem:$0xD060]  }
0x2a: {  	v1 =	vsub.f32 v1, v2;
	_ =	sdelay $0x1  }
0x2b: {  	v1 =	vmul.f32 v3, v1;
	_ =	sdelay $0x1  }
0x2c: {  	v1 =	vclamp.gez.f32 v1, v4  }
0x2d: {  	v2 =	vtrunc.f32 v1  }
0x2e: {  	v2 =	vcvt.f32.s32 v2;
	_ =	sdelay $0x1  }
0x2f: {  	v3 =	vcvt.s32.f32 v2;
	_ =	sdelay $0x1  }
0x30: {  	v1 =	vsub.f32 v1, v3;
	_ =	sdelay $0x1  }
0x31: {  	[tilespmem:s25+$0x1800] =	vst v1;
	v1 =	vld [tilespmem:s25+$0x800]  }
0x32: {  	v3 =	vld [tilespmem:$0xD010];
	_ =	sdelay $0x1  }
0x33: {  	v4 =	vld [tilespmem:$0xD040];
	_ =	sdelay $0x1  }
0x34: {  	v5 =	vld [tilespmem:$0xD070]  }
0x35: {  	v1 =	vsub.f32 v1, v3;
	_ =	sdelay $0x1  }
0x36: {  	v1 =	vmul.f32 v4, v1;
	_ =	sdelay $0x1  }
0x37: {  	v1 =	vclamp.gez.f32 v1, v5  }
0x38: {  	v3 =	vtrunc.f32 v1  }
0x39: {  	v3 =	vcvt.f32.s32 v3;
	_ =	sdelay $0x1  }
0x3a: {  	v4 =	vcvt.s32.f32 v3;
	_ =	sdelay $0x1  }
0x3b: {  	v1 =	vsub.f32 v1, v4;
	_ =	sdelay $0x1  }
0x3c: {  	[tilespmem:s25+$0x2000] =	vst v1;
	v1 =	vld [tilespmem:s25+$0x1000]  }
0x3d: {  	v4 =	vld [tilespmem:$0xD020];
	_ =	sdelay $0x1  }
0x3e: {  	v5 =	vld [tilespmem:$0xD050];
	_ =	sdelay $0x1  }
0x3f: {  	v6 =	vld [tilespmem:$0xD080]  }
0x40: {  	v1 =	vsub.f32 v1, v4;
	_ =	sdelay $0x1  }
0x41: {  	v1 =	vmul.f32 v5, v1;
	_ =	sdelay $0x1  }
0x42: {  	v1 =	vclamp.gez.f32 v1, v6  }
0x43: {  	v2 =	vshll.u32 v2, $0xE;
	v4 =	vtrunc.f32 v1  }
0x44: {  	v2 =	vadd.s32 v0, v2;
	v3 =	vshll.u32 v3, $0x7;
	v4 =	vcvt.f32.s32 v4  }
0x45: {  	v2 =	vadd.s32 v3, v2  }
0x46: {  	v5 =	vcvt.s32.f32 v4;
	v2 =	vadd.s32 v4, v2  }
0x47: {  	[tilespmem:s25+$0x3000] =	vst v2;
	v4 =	vadd.s32 $0x1, v2;
	v3 =	vadd.s32 $0x80, v2;
	v6 =	vadd.s32 $0x81, v2  }
0x48: {  	s26 =	simm.s32 $0x40;
	v1 =	vsub.f32 v1, v5;
	[tilespmem:s25+$0x3800] =	vst v4;
	v4 =	vadd.s32 $0x4000, v2;
	v5 =	vadd.s32 $0x4001, v2  }
.LBB2_2:
0x49: {  	p0 =	sne.s32 s26, $0xFC0;
	[tilespmem:s25+$0x4800] =	vst v6;
	v6 =	vadd.s32 $0x4080, v2;
	v2 =	vadd.s32 $0x4081, v2;
	s28 =	smov.u32 s26;
	s26 =	sadd.s32 $0x40, s26  }
0x4a: {  	[tilespmem:s25+$0x4000] =	vst v3  }
0x4b: {  	[tilespmem:s25+$0x6000] =	vst v6  }
0x4c: {  	[tilespmem:s25+$0x5800] =	vst v5  }
0x4d: {  	[tilespmem:s25+$0x5000] =	vst v4  }
0x4e: {  	s28 =	sshra.s32 s28, $0x2;
	[tilespmem:s25+$0x6800] =	vst v2  }
0x4f: {  	v2 =	vld [tilespmem:s28+$0x0];
	[tilespmem:s25+$0x2800] =	vst v1;
	s25 =	smov.u32 s28  }
0x50: {  	v1 =	vld [tilespmem:$0xD000]  }
0x51: {  	v3 =	vld [tilespmem:$0xD030];
	_ =	sdelay $0x1  }
0x52: {  	v4 =	vld [tilespmem:$0xD060];
	_ =	sdelay $0x1  }
0x53: {  	v1 =	vsub.f32 v2, v1;
	_ =	sdelay $0x1  }
0x54: {  	v1 =	vmul.f32 v3, v1;
	_ =	sdelay $0x1  }
0x55: {  	v1 =	vclamp.gez.f32 v1, v4  }
0x56: {  	v2 =	vtrunc.f32 v1  }
0x57: {  	v2 =	vcvt.f32.s32 v2;
	_ =	sdelay $0x1  }
0x58: {  	v3 =	vcvt.s32.f32 v2;
	v2 =	vshll.u32 v2, $0xE;
	_ =	sdelay $0x1  }
0x59: {  	v1 =	vsub.f32 v1, v3;
	_ =	sdelay $0x1  }
0x5a: {  	[tilespmem:s25+$0x1800] =	vst v1;
	v1 =	vld [tilespmem:s25+$0x800]  }
0x5b: {  	v3 =	vld [tilespmem:$0xD010];
	_ =	sdelay $0x1  }
0x5c: {  	v4 =	vld [tilespmem:$0xD040];
	_ =	sdelay $0x1  }
0x5d: {  	v5 =	vld [tilespmem:$0xD070]  }
0x5e: {  	v1 =	vsub.f32 v1, v3;
	_ =	sdelay $0x1  }
0x5f: {  	v1 =	vmul.f32 v4, v1;
	_ =	sdelay $0x1  }
0x60: {  	v1 =	vclamp.gez.f32 v1, v5  }
0x61: {  	v3 =	vtrunc.f32 v1  }
0x62: {  	v3 =	vcvt.f32.s32 v3;
	_ =	sdelay $0x1  }
0x63: {  	v4 =	vcvt.s32.f32 v3;
	v3 =	vshll.u32 v3, $0x7;
	_ =	sdelay $0x1  }
0x64: {  	v1 =	vsub.f32 v1, v4;
	_ =	sdelay $0x1  }
0x65: {  	[tilespmem:s25+$0x2000] =	vst v1;
	v1 =	vld [tilespmem:s25+$0x1000]  }
0x66: {  	v4 =	vld [tilespmem:$0xD020]  }
0x67: {  	v5 =	vld [tilespmem:$0xD050];
	_ =	sdelay $0x2  }
0x68: {  	v6 =	vld [tilespmem:$0xD080]  }
0x69: {  	v1 =	vsub.f32 v1, v4;
	_ =	sdelay $0x1  }
0x6a: {  	v1 =	vmul.f32 v5, v1;
	_ =	sdelay $0x1  }
0x6b: {  	v1 =	vclamp.gez.f32 v1, v6  }
0x6c: {  	v4 =	vtrunc.f32 v1  }
.Ltmp0:
0x6d: {  	v2 =	vadd.s32 v0, v2;
	v4 =	vcvt.f32.s32 v4;
	(pc) =	sbr.rel @p0 .LBB2_2-.Ltmp0, $4  }
0x6e: {  	v2 =	vadd.s32 v3, v2  }
0x6f: {  	v5 =	vcvt.s32.f32 v4;
	v2 =	vadd.s32 v4, v2  }
0x70: {  	[tilespmem:s25+$0x3000] =	vst v2;
	v4 =	vadd.s32 $0x1, v2;
	v3 =	vadd.s32 $0x80, v2;
	v6 =	vadd.s32 $0x81, v2  }
0x71: {  	v1 =	vsub.f32 v1, v5;
	[tilespmem:s25+$0x3800] =	vst v4;
	v4 =	vadd.s32 $0x4000, v2;
	v5 =	vadd.s32 $0x4001, v2  }
0x72: {  	[tilespmem:s25+$0x4800] =	vst v6  }
0x73: {  	[tilespmem:s25+$0x4000] =	vst v3  }
0x74: {  	[tilespmem:s25+$0x5800] =	vst v5  }
0x75: {  	v6 =	vadd.s32 $0x4080, v2;
	[tilespmem:s25+$0x5000] =	vst v4  }
0x76: {  	v2 =	vadd.s32 $0x4081, v2;
	[tilespmem:s25+$0x6000] =	vst v6  }
0x77: {  	[tilespmem:s25+$0x6800] =	vst v2  }
0x78: {  	s28 =	simm.s32 $0x3000;
	s26 =	simm.s32 $0x7000;
	[tilespmem:s25+$0x2800] =	vst v1  }
0x79: {  	[tilespmem:s26], [sflag:$0x1] =	stream.indirect.gather [hbm4b:s1+s18], $0x1, s28, s18, $0xb8;
	[tilespmem:$0xD180] =	vst v63  }
0x7a: {  	s29 =	simm.s32 $0x3800;
	s30 =	simm.s32 $0x7800  }
0x7b: {  	[tilespmem:s30], [sflag:$0x1] =	stream.indirect.gather [hbm4b:s1+s18], $0x1, s29, s18, $0xb8;
	[tilespmem:$0xD180] =	vst v63  }
0x7c: {  	s26 =	simm.s32 $0x4000;
	s28 =	simm.s32 $0x8000  }
0x7d: {  	[tilespmem:s28], [sflag:$0x1] =	stream.indirect.gather [hbm4b:s1+s18], $0x1, s26, s18, $0xb8;
	[tilespmem:$0xD180] =	vst v63  }
0x7e: {  	s29 =	simm.s32 $0x4800;
	s30 =	simm.s32 $0x8800  }
0x7f: {  	[tilespmem:s30], [sflag:$0x1] =	stream.indirect.gather [hbm4b:s1+s18], $0x1, s29, s18, $0xb8;
	[tilespmem:$0xD180] =	vst v63  }
0x80: {  	s26 =	simm.s32 $0x5000;
	s28 =	simm.s32 $0x9000  }
0x81: {  	[tilespmem:s28], [sflag:$0x1] =	stream.indirect.gather [hbm4b:s1+s18], $0x1, s26, s18, $0xb8;
	[tilespmem:$0xD180] =	vst v63  }
0x82: {  	s29 =	simm.s32 $0x5800;
	s30 =	simm.s32 $0x9800  }
0x83: {  	[tilespmem:s30], [sflag:$0x1] =	stream.indirect.gather [hbm4b:s1+s18], $0x1, s29, s18, $0xb8;
	[tilespmem:$0xD180] =	vst v63  }
0x84: {  	s26 =	simm.s32 $0x6000;
	s28 =	simm.s32 $0xA000  }
0x85: {  	[tilespmem:s28], [sflag:$0x1] =	stream.indirect.gather [hbm4b:s1+s18], $0x1, s26, s18, $0xb8;
	[tilespmem:$0xD180] =	vst v63  }
0x86: {  	s25 =	simm.s32 $0x400;
	s29 =	simm.s32 $0x6800;
	s30 =	simm.s32 $0xA800  }
0x87: {  	[tilespmem:s30], [sflag:$0x1] =	stream.indirect.gather [hbm4b:s1+s18], $0x1, s29, s18, $0xb8;
	[tilespmem:$0xD180] =	vst v63  }
0x88: {  	v1 =	vld [tilespmem:s25+$0x0]  }
0x89: {  	v2 =	vld [tilespmem:$0xD000];
	_ =	sdelay $0x1  }
0x8a: {  	v3 =	vld [tilespmem:$0xD030];
	_ =	sdelay $0x1  }
0x8b: {  	v4 =	vld [tilespmem:$0xD060]  }
0x8c: {  	v1 =	vsub.f32 v1, v2;
	_ =	sdelay $0x1  }
0x8d: {  	v1 =	vmul.f32 v3, v1;
	_ =	sdelay $0x1  }
0x8e: {  	v1 =	vclamp.gez.f32 v1, v4  }
0x8f: {  	v2 =	vtrunc.f32 v1  }
0x90: {  	v2 =	vcvt.f32.s32 v2;
	_ =	sdelay $0x1  }
0x91: {  	v3 =	vcvt.s32.f32 v2;
	_ =	sdelay $0x1  }
0x92: {  	v1 =	vsub.f32 v1, v3;
	_ =	sdelay $0x1  }
0x93: {  	[tilespmem:s25+$0x1800] =	vst v1;
	v1 =	vld [tilespmem:s25+$0x800]  }
0x94: {  	v3 =	vld [tilespmem:$0xD010];
	_ =	sdelay $0x1  }
0x95: {  	v4 =	vld [tilespmem:$0xD040];
	_ =	sdelay $0x1  }
0x96: {  	v5 =	vld [tilespmem:$0xD070]  }
0x97: {  	v1 =	vsub.f32 v1, v3;
	_ =	sdelay $0x1  }
0x98: {  	v1 =	vmul.f32 v4, v1;
	_ =	sdelay $0x1  }
0x99: {  	v1 =	vclamp.gez.f32 v1, v5  }
0x9a: {  	v3 =	vtrunc.f32 v1  }
0x9b: {  	v3 =	vcvt.f32.s32 v3;
	_ =	sdelay $0x1  }
0x9c: {  	v4 =	vcvt.s32.f32 v3;
	_ =	sdelay $0x1  }
0x9d: {  	v1 =	vsub.f32 v1, v4;
	_ =	sdelay $0x1  }
0x9e: {  	[tilespmem:s25+$0x2000] =	vst v1;
	v1 =	vld [tilespmem:s25+$0x1000]  }
0x9f: {  	v4 =	vld [tilespmem:$0xD020];
	_ =	sdelay $0x1  }
0xa0: {  	v5 =	vld [tilespmem:$0xD050];
	_ =	sdelay $0x1  }
0xa1: {  	v6 =	vld [tilespmem:$0xD080]  }
0xa2: {  	v1 =	vsub.f32 v1, v4;
	_ =	sdelay $0x1  }
0xa3: {  	v1 =	vmul.f32 v5, v1;
	_ =	sdelay $0x1  }
0xa4: {  	v1 =	vclamp.gez.f32 v1, v6  }
0xa5: {  	v2 =	vshll.u32 v2, $0xE;
	v4 =	vtrunc.f32 v1  }
0xa6: {  	v2 =	vadd.s32 v0, v2;
	v3 =	vshll.u32 v3, $0x7;
	v4 =	vcvt.f32.s32 v4  }
0xa7: {  	v2 =	vadd.s32 v3, v2  }
0xa8: {  	v5 =	vcvt.s32.f32 v4;
	v2 =	vadd.s32 v4, v2  }
0xa9: {  	[tilespmem:s25+$0x3000] =	vst v2;
	v4 =	vadd.s32 $0x1, v2;
	v3 =	vadd.s32 $0x80, v2;
	v6 =	vadd.s32 $0x81, v2  }
0xaa: {  	s26 =	simm.s32 $0x1040;
	v1 =	vsub.f32 v1, v5;
	[tilespmem:s25+$0x3800] =	vst v4;
	v4 =	vadd.s32 $0x4000, v2;
	v5 =	vadd.s32 $0x4001, v2  }
.LBB2_4:
0xab: {  	p0 =	sne.s32 s26, $0x1FC0;
	[tilespmem:s25+$0x4800] =	vst v6;
	v6 =	vadd.s32 $0x4080, v2;
	v2 =	vadd.s32 $0x4081, v2;
	s28 =	smov.u32 s26;
	s26 =	sadd.s32 $0x40, s26  }
0xac: {  	[tilespmem:s25+$0x4000] =	vst v3  }
0xad: {  	[tilespmem:s25+$0x6000] =	vst v6  }
0xae: {  	[tilespmem:s25+$0x5800] =	vst v5  }
0xaf: {  	[tilespmem:s25+$0x5000] =	vst v4  }
0xb0: {  	s28 =	sshra.s32 s28, $0x2;
	[tilespmem:s25+$0x6800] =	vst v2  }
0xb1: {  	v2 =	vld [tilespmem:s28+$0x0];
	[tilespmem:s25+$0x2800] =	vst v1;
	s25 =	smov.u32 s28  }
0xb2: {  	v1 =	vld [tilespmem:$0xD000]  }
0xb3: {  	v3 =	vld [tilespmem:$0xD030];
	_ =	sdelay $0x1  }
0xb4: {  	v4 =	vld [tilespmem:$0xD060];
	_ =	sdelay $0x1  }
0xb5: {  	v1 =	vsub.f32 v2, v1;
	_ =	sdelay $0x1  }
0xb6: {  	v1 =	vmul.f32 v3, v1;
	_ =	sdelay $0x1  }
0xb7: {  	v1 =	vclamp.gez.f32 v1, v4  }
0xb8: {  	v2 =	vtrunc.f32 v1  }
0xb9: {  	v2 =	vcvt.f32.s32 v2;
	_ =	sdelay $0x1  }
0xba: {  	v3 =	vcvt.s32.f32 v2;
	v2 =	vshll.u32 v2, $0xE;
	_ =	sdelay $0x1  }
0xbb: {  	v1 =	vsub.f32 v1, v3;
	_ =	sdelay $0x1  }
0xbc: {  	[tilespmem:s25+$0x1800] =	vst v1;
	v1 =	vld [tilespmem:s25+$0x800]  }
0xbd: {  	v3 =	vld [tilespmem:$0xD010];
	_ =	sdelay $0x1  }
0xbe: {  	v4 =	vld [tilespmem:$0xD040];
	_ =	sdelay $0x1  }
0xbf: {  	v5 =	vld [tilespmem:$0xD070]  }
0xc0: {  	v1 =	vsub.f32 v1, v3;
	_ =	sdelay $0x1  }
0xc1: {  	v1 =	vmul.f32 v4, v1;
	_ =	sdelay $0x1  }
0xc2: {  	v1 =	vclamp.gez.f32 v1, v5  }
0xc3: {  	v3 =	vtrunc.f32 v1  }
0xc4: {  	v3 =	vcvt.f32.s32 v3;
	_ =	sdelay $0x1  }
0xc5: {  	v4 =	vcvt.s32.f32 v3;
	v3 =	vshll.u32 v3, $0x7;
	_ =	sdelay $0x1  }
0xc6: {  	v1 =	vsub.f32 v1, v4;
	_ =	sdelay $0x1  }
0xc7: {  	[tilespmem:s25+$0x2000] =	vst v1;
	v1 =	vld [tilespmem:s25+$0x1000]  }
0xc8: {  	v4 =	vld [tilespmem:$0xD020]  }
0xc9: {  	v5 =	vld [tilespmem:$0xD050];
	_ =	sdelay $0x2  }
0xca: {  	v6 =	vld [tilespmem:$0xD080]  }
0xcb: {  	v1 =	vsub.f32 v1, v4;
	_ =	sdelay $0x1  }
0xcc: {  	v1 =	vmul.f32 v5, v1;
	_ =	sdelay $0x1  }
0xcd: {  	v1 =	vclamp.gez.f32 v1, v6  }
0xce: {  	v4 =	vtrunc.f32 v1  }
.Ltmp1:
0xcf: {  	v2 =	vadd.s32 v0, v2;
	v4 =	vcvt.f32.s32 v4;
	(pc) =	sbr.rel @p0 .LBB2_4-.Ltmp1, $4  }
0xd0: {  	v2 =	vadd.s32 v3, v2  }
0xd1: {  	v5 =	vcvt.s32.f32 v4;
	v2 =	vadd.s32 v4, v2  }
0xd2: {  	[tilespmem:s25+$0x3000] =	vst v2;
	v4 =	vadd.s32 $0x1, v2;
	v3 =	vadd.s32 $0x80, v2;
	v6 =	vadd.s32 $0x81, v2  }
0xd3: {  	v1 =	vsub.f32 v1, v5;
	[tilespmem:s25+$0x3800] =	vst v4;
	v4 =	vadd.s32 $0x4000, v2;
	v5 =	vadd.s32 $0x4001, v2  }
0xd4: {  	[tilespmem:s25+$0x4800] =	vst v6  }
0xd5: {  	[tilespmem:s25+$0x4000] =	vst v3  }
0xd6: {  	[tilespmem:s25+$0x5800] =	vst v5  }
0xd7: {  	v6 =	vadd.s32 $0x4080, v2;
	[tilespmem:s25+$0x5000] =	vst v4  }
0xd8: {  	v2 =	vadd.s32 $0x4081, v2;
	[tilespmem:s25+$0x6000] =	vst v6  }
0xd9: {  	[tilespmem:s25+$0x6800] =	vst v2  }
0xda: {  	s30 =	simm.s32 $0x3400;
	s26 =	simm.s32 $0x7400;
	[tilespmem:s25+$0x2800] =	vst v1  }
0xdb: {  	[tilespmem:s26], [sflag:$0x2] =	stream.indirect.gather [hbm4b:s1+s18], $0x1, s30, s18, $0xb8;
	[tilespmem:$0xD180] =	vst v63  }
0xdc: {  	s26 =	simm.s32 $0x3C00;
	s30 =	simm.s32 $0x7C00  }
0xdd: {  	[tilespmem:s30], [sflag:$0x2] =	stream.indirect.gather [hbm4b:s1+s18], $0x1, s26, s18, $0xb8;
	[tilespmem:$0xD180] =	vst v63  }
0xde: {  	s26 =	simm.s32 $0x4400;
	s30 =	simm.s32 $0x8400  }
0xdf: {  	[tilespmem:s30], [sflag:$0x2] =	stream.indirect.gather [hbm4b:s1+s18], $0x1, s26, s18, $0xb8;
	[tilespmem:$0xD180] =	vst v63  }
0xe0: {  	s26 =	simm.s32 $0x4C00;
	s30 =	simm.s32 $0x8C00  }
0xe1: {  	[tilespmem:s30], [sflag:$0x2] =	stream.indirect.gather [hbm4b:s1+s18], $0x1, s26, s18, $0xb8;
	[tilespmem:$0xD180] =	vst v63  }
0xe2: {  	s26 =	simm.s32 $0x5400;
	s30 =	simm.s32 $0x9400  }
0xe3: {  	[tilespmem:s30], [sflag:$0x2] =	stream.indirect.gather [hbm4b:s1+s18], $0x1, s26, s18, $0xb8;
	[tilespmem:$0xD180] =	vst v63  }
0xe4: {  	s26 =	simm.s32 $0x5C00;
	s30 =	simm.s32 $0x9C00  }
0xe5: {  	[tilespmem:s30], [sflag:$0x2] =	stream.indirect.gather [hbm4b:s1+s18], $0x1, s26, s18, $0xb8;
	[tilespmem:$0xD180] =	vst v63  }
0xe6: {  	_ = 	snop  }
0xe7: {  	[tilespmem:s2], [sflag:$0x2] =	stream.indirect.gather [hbm4b:s1+s18], $0x1, s31, s18, $0xb8;
	[tilespmem:$0xD180] =	vst v63  }
0xe8: {  	_ = 	snop  }
0xe9: {  	[tilespmem:s15], [sflag:$0x2] =	stream.indirect.gather [hbm4b:s1+s18], $0x1, s0, s18, $0xb8;
	[tilespmem:$0xD180] =	vst v63  }
0xea: {  	_ =	swait.ge [sflag:s16], $0x400  }
0xeb: {  	[sflag:s16] =	ssyncset.done $0x0  }
0xec: {  	[sflag:s16] =	ssyncadd.s32 $0xFFFFFC00  }
0xed: {  	_ =	swait.ge [sflag:s16], $0x400  }
0xee: {  	[sflag:s16] =	ssyncset.done $0x0  }
0xef: {  	[sflag:s16] =	ssyncadd.s32 $0xFFFFFC00  }
0xf0: {  	_ =	swait.ge [sflag:s16], $0x400  }
0xf1: {  	[sflag:s16] =	ssyncset.done $0x0  }
0xf2: {  	[sflag:s16] =	ssyncadd.s32 $0xFFFFFC00  }
0xf3: {  	_ =	swait.ge [sflag:s16], $0x400  }
0xf4: {  	[sflag:s16] =	ssyncset.done $0x0  }
0xf5: {  	[sflag:s16] =	ssyncadd.s32 $0xFFFFFC00  }
0xf6: {  	_ =	swait.ge [sflag:s16], $0x400  }
0xf7: {  	[sflag:s16] =	ssyncset.done $0x0  }
0xf8: {  	[sflag:s16] =	ssyncadd.s32 $0xFFFFFC00  }
0xf9: {  	_ =	swait.ge [sflag:s16], $0x400  }
0xfa: {  	[sflag:s16] =	ssyncset.done $0x0  }
0xfb: {  	[sflag:s16] =	ssyncadd.s32 $0xFFFFFC00  }
0xfc: {  	_ =	swait.ge [sflag:s16], $0x400  }
0xfd: {  	[sflag:s16] =	ssyncset.done $0x0  }
0xfe: {  	[sflag:s16] =	ssyncadd.s32 $0xFFFFFC00  }
0xff: {  	_ =	swait.ge [sflag:s16], $0x400  }
0x100: {  	[sflag:s16] =	ssyncset.done $0x0  }
0x101: {  	s25 =	simm.s32 $0x0;
	[sflag:s16] =	ssyncadd.s32 $0xFFFFFC00  }
0x102: {  	v1 =	vld [tilespmem:s25+$0x7000]  }
0x103: {  	v2 =	vld [tilespmem:s25+$0x7800]  }
0x104: {  	v3 =	vld [tilespmem:s25+$0x8000]  }
0x105: {  	v4 =	vld [tilespmem:s25+$0x8800]  }
0x106: {  	v5 =	vld [tilespmem:s25+$0x9000]  }
0x107: {  	v6 =	vld [tilespmem:s25+$0x9800]  }
0x108: {  	v7 =	vld [tilespmem:s25+$0x2000]  }
0x109: {  	v8 =	vld [tilespmem:s25+$0x2800];
	_ =	sdelay $0x3  }
0x10a: {  	v11 =	vld [tilespmem:s25+$0xA000];
	v9 =	vsub.f32 v2, v1;
	v10 =	vsub.f32 v4, v3  }
0x10b: {  	v12 =	vsub.f32 v6, v5;
	v13 =	vsub.f32 $1.000000000e+00, v7;
	v14 =	vmul.f32 v8, v7  }
0x10c: {  	v16 =	vld [tilespmem:s25+$0xA800];
	v15 =	vsub.f32 v3, v1;
	v17 =	vsub.f32 v4, v2  }
0x10d: {  	v19 =	vld [tilespmem:s25+$0x1800];
	v18 =	vsub.f32 $1.000000000e+00, v8;
	v4 =	vmul.f32 v14, v4;
	v9 =	vmul.f32 v13, v9  }
0x10e: {  	v10 =	vmul.f32 v7, v10;
	v12 =	vmul.f32 v13, v12  }
0x10f: {  	v20 =	vsub.f32 v11, v5;
	v15 =	vmul.f32 v18, v15;
	v17 =	vmul.f32 v8, v17  }
0x110: {  	v21 =	vmul.f32 v18, v13;
	v13 =	vmul.f32 v8, v13  }
0x111: {  	v22 =	vsub.f32 v16, v6;
	v20 =	vmul.f32 v18, v20;
	v18 =	vmul.f32 v18, v7  }
0x112: {  	v23 =	vsub.f32 $1.000000000e+00, v19;
	v1 =	vmul.f32 v21, v1;
	v2 =	vmul.f32 v13, v2  }
0x113: {  	v5 =	vmul.f32 v21, v5;
	v21 =	vsub.f32 v16, v11;
	v6 =	vmul.f32 v13, v6  }
0x114: {  	v8 =	vmul.f32 v8, v22;
	v9 =	vadd.f32 v9, v10;
	v1 =	vadd.f32 v1, v2  }
0x115: {  	s26 =	simm.s32 $0x10;
	v2 =	vmul.f32 v18, v3;
	v3 =	vadd.f32 v5, v6;
	v5 =	vmul.f32 v18, v11  }
0x116: {  	v10 =	vld [tilespmem:s26+$0x7000];
	v8 =	vadd.f32 v20, v8;
	v6 =	vadd.f32 v15, v17;
	v7 =	vmul.f32 v7, v21  }
0x117: {  	v11 =	vld [tilespmem:s26+$0x7800];
	v1 =	vadd.f32 v1, v2;
	v2 =	vadd.f32 v3, v5;
	v3 =	vmul.f32 v14, v16  }
0x118: {  	v8 =	vmul.f32 v8, v19;
	v15 =	vld [tilespmem:s26+$0x2800];
	v6 =	vmul.f32 v6, v23;
	v7 =	vadd.f32 v12, v7  }
0x119: {  	v18 =	vld [tilespmem:s26+$0xA000];
	v1 =	vadd.f32 v1, v4;
	v13 =	vadd.f32 v2, v3  }
0x11a: {  	v5 =	vld [tilespmem:s26+$0x8000];
	v2 =	vadd.f32 v8, v6  }
0x11b: {  	v12 =	vld [tilespmem:s26+$0x8800];
	v4 =	vmul.f32 v9, v23;
	v7 =	vmul.f32 v7, v19;
	v3 =	vsub.f32 v13, v1  }
0x11c: {  	v14 =	vld [tilespmem:s26+$0x9000]  }
0x11d: {  	v8 =	vld [tilespmem:s26+$0x2000];
	v9 =	vmul.f32 v2, v2;
	v4 =	vadd.f32 v7, v4;
	v7 =	vmul.f32 v3, v3;
	_ =	sdelay $0x1  }
0x11e: {  	v7 =	vadd.f32 v7, v9;
	v9 =	vmul.f32 v4, v4  }
0x11f: {  	v16 =	vsub.f32 v11, v10;
	v25 =	vsub.f32 $1.000000000e+00, v15;
	v1 =	vmul.f32 v1, v23  }
0x120: {  	v6 =	vld [tilespmem:s26+$0x9800];
	v13 =	vmul.f32 v13, v19;
	v17 =	vsub.f32 v12, v5;
	v7 =	vadd.f32 v7, v9  }
0x121: {  	v24 =	vsub.f32 v12, v11;
	v28 =	vsub.f32 v18, v14;
	v21 =	vmul.f32 v15, v8  }
0x122: {  	v20 =	vld [tilespmem:s26+$0xA800];
	v22 =	vsub.f32 $1.000000000e+00, v8;
	v23 =	vshrl.u32 v7, $0x1;
	v7 =	vmul.f32 $5.000000000e-01, v7  }
0x123: {  	v17 =	vmul.f32 v8, v17;
	v24 =	vmul.f32 v15, v24;
	v23 =	vsub.s32 $0x5F3759DF, v23  }
0x124: {  	v19 =	vsub.f32 v5, v10;
	v28 =	vmul.f32 v25, v28;
	v26 =	vmul.f32 v23, v7  }
0x125: {  	v16 =	vmul.f32 v22, v16;
	v30 =	vmul.f32 v25, v22;
	v9 =	vsub.f32 v6, v14  }
0x126: {  	v1 =	vadd.f32 v13, v1;
	v13 =	vmul.f32 v15, v22;
	v26 =	vmul.f32 v23, v26  }
0x127: {  	v27 =	vld [tilespmem:s26+$0x1800];
	v29 =	vmul.f32 v22, v9;
	v9 =	vmul.f32 v25, v19;
	v19 =	vsub.f32 v20, v6  }
0x128: {  	v10 =	vmul.f32 v30, v10;
	v11 =	vmul.f32 v13, v11;
	v26 =	vsub.f32 $1.500000000e+00, v26  }
0x129: {  	v14 =	vmul.f32 v30, v14;
	v19 =	vmul.f32 v15, v19  }
0x12a: {  	v15 =	vmul.f32 v25, v8;
	v22 =	vmul.f32 v23, v26  }
0x12b: {  	v6 =	vmul.f32 v13, v6;
	v13 =	vadd.f32 v16, v17;
	v10 =	vadd.f32 v10, v11  }
0x12c: {  	v25 =	vsub.f32 $1.000000000e+00, v27;
	v5 =	vmul.f32 v15, v5;
	v16 =	vmul.f32 v22, v7  }
0x12d: {  	v11 =	vadd.f32 v9, v24;
	v6 =	vadd.f32 v14, v6;
	v14 =	vmul.f32 v15, v18  }
0x12e: {  	s28 =	simm.s32 $0x20;
	[tilespmem:s25+$0xB000] =	vst v1;
	v5 =	vadd.f32 v10, v5;
	v23 =	vsub.f32 v20, v18;
	v15 =	vmul.f32 v16, v22  }
0x12f: {  	v12 =	vmul.f32 v21, v12;
	v9 =	vld [tilespmem:s28+$0x7000];
	v6 =	vadd.f32 v6, v14;
	v16 =	vadd.f32 v28, v19  }
0x130: {  	v10 =	vld [tilespmem:s28+$0x7800];
	v14 =	vmul.f32 v21, v20;
	v17 =	vmul.f32 v8, v23;
	v15 =	vsub.f32 $1.500000000e+00, v15  }
0x131: {  	v11 =	vmul.f32 v11, v25;
	v18 =	vld [tilespmem:s28+$0x8800];
	v20 =	vadd.f32 v5, v12;
	v16 =	vmul.f32 v16, v27  }
0x132: {  	v21 =	vadd.f32 v6, v14;
	v8 =	vld [tilespmem:s28+$0x8000];
	v19 =	vadd.f32 v29, v17;
	v24 =	vmul.f32 v15, v22  }
0x133: {  	v12 =	vld [tilespmem:s28+$0x2000];
	v5 =	vadd.f32 v16, v11;
	v11 =	vmul.f32 v13, v25  }
0x134: {  	v6 =	vsub.f32 v21, v20;
	v17 =	vld [tilespmem:s28+$0x9800];
	v13 =	vmul.f32 v19, v27;
	v7 =	vmul.f32 v24, v7  }
0x135: {  	v1 =	vmin.f32 v1, $0.0e+00;
	v23 =	vsub.f32 v10, v9;
	v15 =	vld [tilespmem:s28+$0x9000];
	v19 =	vmul.f32 v5, v5  }
0x136: {  	v22 =	vld [tilespmem:s28+$0x2800];
	v14 =	vadd.f32 v13, v11;
	v13 =	vmul.f32 v6, v6;
	v7 =	vmul.f32 v7, v24  }
0x137: {  	v29 =	vsub.f32 v18, v10;
	v26 =	vsub.f32 v8, v9;
	v16 =	vimm.f32 $0.0e+00  }
0x138: {  	v13 =	vadd.f32 v13, v19;
	v19 =	vmul.f32 v14, v14;
	v7 =	vsub.f32 $1.500000000e+00, v7  }
0x139: {  	v1 =	vadd.f32 v1, v16;
	v16 =	vmul.f32 v21, v27;
	v27 =	vsub.f32 v18, v8  }
0x13a: {  	v21 =	vld [tilespmem:s28+$0xA000];
	v11 =	vmul.f32 v20, v25;
	v13 =	vadd.f32 v13, v19;
	v7 =	vmul.f32 v7, v24  }
0x13b: {  	v25 =	vsub.f32 $1.000000000e+00, v12;
	v20 =	vld [tilespmem:s28+$0xA800];
	v28 =	vsub.f32 v17, v15;
	v19 =	vmul.f32 v22, v12  }
0x13c: {  	s29 =	simm.s32 $0xC0;
	v24 =	vshrl.u32 v13, $0x1;
	v13 =	vmul.f32 $5.000000000e-01, v13;
	v7 =	vmin.f32 v7, $1.000000000e+05  }
.LBB2_6:
0x13d: {  	p0 =	sne.s32 s29, $0xFC0;
	v30 =	vmul.f32 v19, v18;
	v18 =	vsub.s32 $0x5F3759DF, v24;
	v24 =	vmul.f32 v7, v4;
	v4 =	vmovc v14  }
0x13e: {  	v14 =	vsub.f32 $1.000000000e+00, v22;
	v23 =	vmul.f32 v25, v23;
	v31 =	vmul.f32 v18, v13  }
0x13f: {  	v27 =	vmul.f32 v12, v27;
	v28 =	vmul.f32 v25, v28;
	v32 =	vld [tilespmem:s28+$0x1800];
	v33 =	vsub.f32 v21, v15;
	[tilespmem:s25+$0xC800] =	vst v24  }
0x140: {  	v24 =	vmul.f32 v14, v26;
	v26 =	vsub.f32 v20, v17;
	v31 =	vmul.f32 v18, v31  }
0x141: {  	v29 =	vmul.f32 v22, v29;
	v11 =	vadd.f32 v16, v11;
	v33 =	vmul.f32 v14, v33  }
0x142: {  	v16 =	vmul.f32 v14, v25;
	v26 =	vmul.f32 v22, v26;
	v31 =	vsub.f32 $1.500000000e+00, v31  }
0x143: {  	v14 =	vmul.f32 v14, v12;
	v22 =	vmul.f32 v22, v25;
	v25 =	vmin.f32 v11, $0.0e+00;
	[tilespmem:s26+$0xB000] =	vst v11  }
0x144: {  	v9 =	vmul.f32 v16, v9;
	v11 =	vsub.f32 $1.000000000e+00, v32;
	v31 =	vmul.f32 v18, v31  }
0x145: {  	v15 =	vmul.f32 v16, v15;
	v16 =	vsub.f32 v20, v21;
	v10 =	vmul.f32 v22, v10  }
0x146: {  	v17 =	vmul.f32 v22, v17;
	v22 =	vadd.f32 v23, v27;
	v18 =	vmul.f32 v31, v13  }
0x147: {  	v8 =	vmul.f32 v14, v8;
	v23 =	vadd.f32 v24, v29;
	v10 =	vadd.f32 v9, v10  }
0x148: {  	s30 =	sshra.s32 s29, $0x2;
	v14 =	vmul.f32 v14, v21;
	v15 =	vadd.f32 v15, v17;
	v17 =	vmul.f32 v18, v31  }
0x149: {  	v12 =	vmul.f32 v12, v16;
	v21 =	vadd.f32 v10, v8;
	v18 =	vadd.f32 v33, v26;
	v9 =	vld [tilespmem:s30+$0x7000]  }
0x14a: {  	v14 =	vadd.f32 v15, v14;
	v15 =	vmul.f32 v19, v20;
	v10 =	vld [tilespmem:s30+$0x7800];
	v16 =	vsub.f32 $1.500000000e+00, v17  }
0x14b: {  	v12 =	vadd.f32 v28, v12;
	v17 =	vmul.f32 v23, v11;
	v19 =	vmul.f32 v18, v32;
	v8 =	vld [tilespmem:s30+$0x8000]  }
0x14c: {  	v20 =	vadd.f32 v21, v30;
	v21 =	vadd.f32 v14, v15;
	v18 =	vld [tilespmem:s30+$0x8800];
	v24 =	vmul.f32 v16, v31  }
0x14d: {  	v14 =	vmul.f32 v22, v11;
	v19 =	vadd.f32 v19, v17;
	v16 =	vmul.f32 v7, v3;
	v3 =	vmovc v6;
	v15 =	vld [tilespmem:s30+$0x9000]  }
0x14e: {  	v23 =	vmul.f32 v12, v32;
	v6 =	vsub.f32 v21, v20;
	v17 =	vld [tilespmem:s30+$0x9800];
	v13 =	vmul.f32 v24, v13  }
0x14f: {  	v1 =	vadd.f32 v25, v1;
	v11 =	vmul.f32 v20, v11;
	v20 =	vmul.f32 v19, v19;
	v12 =	vld [tilespmem:s30+$0x2000];
	[tilespmem:s25+$0xB800] =	vst v16  }
0x150: {  	v14 =	vadd.f32 v23, v14;
	v25 =	vmul.f32 v6, v6;
	v22 =	vld [tilespmem:s30+$0x2800];
	v13 =	vmul.f32 v13, v24  }
0x151: {  	v7 =	vmul.f32 v7, v2;
	v2 =	vmovc v5;
	v23 =	vsub.f32 v10, v9;
	v16 =	vmul.f32 v21, v32  }
.Ltmp2:
0x152: {  	v5 =	vmovc v19;
	v20 =	vadd.f32 v25, v20;
	v25 =	vmul.f32 v14, v14;
	v13 =	vsub.f32 $1.500000000e+00, v13;
	(pc) =	sbr.rel @p0 .LBB2_6-.Ltmp2, $4  }
0x153: {  	v27 =	vsub.f32 v18, v8;
	v28 =	vsub.f32 v17, v15;
	[tilespmem:s25+$0xC000] =	vst v7;
	s25 =	smov.u32 s26;
	s26 =	smov.u32 s28;
	s28 =	smov.u32 s30  }
0x154: {  	v26 =	vsub.f32 v8, v9;
	v7 =	vadd.f32 v20, v25;
	v21 =	vld [tilespmem:s28+$0xA000];
	v30 =	vmul.f32 v13, v24  }
0x155: {  	v29 =	vsub.f32 v18, v10;
	v25 =	vsub.f32 $1.000000000e+00, v12;
	v20 =	vld [tilespmem:s28+$0xA800];
	v19 =	vmul.f32 v22, v12  }
0x156: {  	s29 =	sadd.s32 $0x40, s29;
	v24 =	vshrl.u32 v7, $0x1;
	v13 =	vmul.f32 $5.000000000e-01, v7;
	v7 =	vmin.f32 v30, $1.000000000e+05  }
0x157: {  	_ =	sdelay $0x1  }
0x158: {  	v23 =	vmul.f32 v25, v23;
	v31 =	vsub.f32 $1.000000000e+00, v22  }
0x159: {  	v27 =	vmul.f32 v12, v27;
	v28 =	vmul.f32 v25, v28;
	v30 =	vsub.f32 v20, v17  }
0x15a: {  	v29 =	vmul.f32 v22, v29;
	v18 =	vmul.f32 v19, v18  }
0x15b: {  	v32 =	vld [tilespmem:s28+$0x1800];
	v33 =	vsub.f32 v21, v15;
	v26 =	vmul.f32 v31, v26;
	v30 =	vmul.f32 v22, v30  }
0x15c: {  	v22 =	vmul.f32 v22, v25;
	v25 =	vmul.f32 v31, v25  }
0x15d: {  	v33 =	vmul.f32 v31, v33;
	v31 =	vmul.f32 v31, v12  }
0x15e: {  	v9 =	vmul.f32 v25, v9;
	v10 =	vmul.f32 v22, v10  }
0x15f: {  	v23 =	vadd.f32 v23, v27;
	v15 =	vmul.f32 v25, v15;
	v17 =	vmul.f32 v22, v17  }
0x160: {  	v25 =	vsub.f32 $1.000000000e+00, v32;
	v22 =	vsub.f32 v20, v21;
	v8 =	vmul.f32 v31, v8  }
0x161: {  	v9 =	vadd.f32 v9, v10;
	v10 =	vadd.f32 v15, v17;
	v15 =	vmul.f32 v31, v21  }
0x162: {  	v17 =	vadd.f32 v26, v29;
	v21 =	vadd.f32 v33, v30;
	v12 =	vmul.f32 v12, v22  }
0x163: {  	v8 =	vadd.f32 v9, v8;
	v9 =	vadd.f32 v10, v15;
	v10 =	vmul.f32 v19, v20  }
0x164: {  	v15 =	vmul.f32 v17, v25;
	v17 =	vmul.f32 v21, v32;
	v12 =	vadd.f32 v28, v12  }
0x165: {  	v8 =	vadd.f32 v8, v18;
	v9 =	vadd.f32 v9, v10  }
0x166: {  	v10 =	vadd.f32 v17, v15  }
0x167: {  	v15 =	vmul.f32 v23, v25;
	v12 =	vmul.f32 v12, v32;
	v17 =	vsub.f32 v9, v8;
	_ =	sdelay $0x1  }
0x168: {  	v18 =	vmul.f32 v10, v10;
	v12 =	vadd.f32 v12, v15;
	v15 =	vmul.f32 v17, v17;
	_ =	sdelay $0x1  }
0x169: {  	v15 =	vadd.f32 v15, v18;
	v18 =	vmul.f32 v12, v12  }
0x16a: {  	v19 =	vsub.s32 $0x5F3759DF, v24  }
0x16b: {  	v20 =	vmul.f32 v19, v13;
	v15 =	vadd.f32 v15, v18;
	_ =	sdelay $0x1  }
0x16c: {  	v18 =	vmul.f32 v19, v20;
	v20 =	vshrl.u32 v15, $0x1;
	v15 =	vmul.f32 $5.000000000e-01, v15  }
0x16d: {  	v20 =	vsub.s32 $0x5F3759DF, v20  }
0x16e: {  	v18 =	vsub.f32 $1.500000000e+00, v18;
	v21 =	vmul.f32 v20, v15;
	_ =	sdelay $0x1  }
0x16f: {  	v18 =	vmul.f32 v19, v18;
	v19 =	vmul.f32 v20, v21;
	_ =	sdelay $0x1  }
0x170: {  	v21 =	vmul.f32 v18, v13;
	v19 =	vsub.f32 $1.500000000e+00, v19;
	_ =	sdelay $0x1  }
0x171: {  	v21 =	vmul.f32 v21, v18;
	v19 =	vmul.f32 v20, v19;
	_ =	sdelay $0x1  }
0x172: {  	v20 =	vsub.f32 $1.500000000e+00, v21;
	v21 =	vmul.f32 v19, v15;
	_ =	sdelay $0x1  }
0x173: {  	v18 =	vmul.f32 v20, v18;
	v20 =	vmul.f32 v21, v19;
	_ =	sdelay $0x1  }
0x174: {  	v13 =	vmul.f32 v18, v13;
	v20 =	vsub.f32 $1.500000000e+00, v20;
	_ =	sdelay $0x1  }
0x175: {  	v13 =	vmul.f32 v13, v18;
	v19 =	vmul.f32 v20, v19;
	_ =	sdelay $0x1  }
0x176: {  	v13 =	vsub.f32 $1.500000000e+00, v13;
	v15 =	vmul.f32 v19, v15  }
0x177: {  	v4 =	vmul.f32 v7, v4;
	v3 =	vmul.f32 v7, v3  }
0x178: {  	v11 =	vadd.f32 v16, v11;
	v13 =	vmul.f32 v13, v18;
	v15 =	vmul.f32 v15, v19  }
0x179: {  	v2 =	vmul.f32 v7, v2;
	[tilespmem:s25+$0xC800] =	vst v4;
	v4 =	vmul.f32 v8, v25  }
0x17a: {  	[tilespmem:s26+$0xB000] =	vst v11;
	v8 =	vmul.f32 v9, v32;
	v9 =	vmin.f32 v13, $1.000000000e+05;
	v13 =	vsub.f32 $1.500000000e+00, v15  }
0x17b: {  	[tilespmem:s25+$0xB800] =	vst v3;
	v3 =	vmul.f32 v9, v14  }
0x17c: {  	[tilespmem:s25+$0xC000] =	vst v2;
	v7 =	vadd.f32 v8, v4;
	v2 =	vmul.f32 v13, v19  }
0x17d: {  	[tilespmem:s26+$0xC800] =	vst v3;
	v3 =	vmul.f32 v9, v6  }
0x17e: {  	v4 =	vmul.f32 v9, v5;
	[tilespmem:s28+$0xB000] =	vst v7;
	v2 =	vmin.f32 v2, $1.000000000e+05  }
0x17f: {  	[tilespmem:s26+$0xB800] =	vst v3;
	v3 =	vmul.f32 v2, v12  }
0x180: {  	[tilespmem:s26+$0xC000] =	vst v4;
	v4 =	vmul.f32 v2, v17  }
0x181: {  	v2 =	vmul.f32 v2, v10;
	[tilespmem:s28+$0xC800] =	vst v3  }
0x182: {  	[tilespmem:s28+$0xB800] =	vst v4  }
0x183: {  	[tilespmem:s28+$0xC000] =	vst v2  }
0x184: {  	_ =	swait.ge [sflag:s17], $0x400  }
0x185: {  	[sflag:s17] =	ssyncset.done $0x0  }
0x186: {  	[sflag:s17] =	ssyncadd.s32 $0xFFFFFC00  }
0x187: {  	_ =	swait.ge [sflag:s17], $0x400  }
0x188: {  	[sflag:s17] =	ssyncset.done $0x0  }
0x189: {  	[sflag:s17] =	ssyncadd.s32 $0xFFFFFC00  }
0x18a: {  	_ =	swait.ge [sflag:s17], $0x400  }
0x18b: {  	[sflag:s17] =	ssyncset.done $0x0  }
0x18c: {  	[sflag:s17] =	ssyncadd.s32 $0xFFFFFC00  }
0x18d: {  	_ =	swait.ge [sflag:s17], $0x400  }
0x18e: {  	[sflag:s17] =	ssyncset.done $0x0  }
0x18f: {  	[sflag:s17] =	ssyncadd.s32 $0xFFFFFC00  }
0x190: {  	_ =	swait.ge [sflag:s17], $0x400  }
0x191: {  	[sflag:s17] =	ssyncset.done $0x0  }
0x192: {  	[sflag:s17] =	ssyncadd.s32 $0xFFFFFC00  }
0x193: {  	_ =	swait.ge [sflag:s17], $0x400  }
0x194: {  	[sflag:s17] =	ssyncset.done $0x0  }
0x195: {  	[sflag:s17] =	ssyncadd.s32 $0xFFFFFC00  }
0x196: {  	_ =	swait.ge [sflag:s17], $0x400  }
0x197: {  	[sflag:s17] =	ssyncset.done $0x0  }
0x198: {  	[sflag:s17] =	ssyncadd.s32 $0xFFFFFC00  }
0x199: {  	_ =	swait.ge [sflag:s17], $0x400  }
0x19a: {  	[sflag:s17] =	ssyncset.done $0x0  }
0x19b: {  	s25 =	simm.s32 $0x400;
	[sflag:s17] =	ssyncadd.s32 $0xFFFFFC00  }
0x19c: {  	v2 =	vld [tilespmem:s25+$0x7000]  }
0x19d: {  	v3 =	vld [tilespmem:s25+$0x7800]  }
0x19e: {  	v4 =	vld [tilespmem:s25+$0x8000]  }
0x19f: {  	v5 =	vld [tilespmem:s25+$0x8800]  }
0x1a0: {  	v6 =	vld [tilespmem:s25+$0x9000]  }
0x1a1: {  	v8 =	vld [tilespmem:s25+$0x9800]  }
0x1a2: {  	v9 =	vld [tilespmem:s25+$0x2000]  }
0x1a3: {  	v10 =	vld [tilespmem:s25+$0x2800];
	_ =	sdelay $0x3  }
0x1a4: {  	v14 =	vld [tilespmem:s25+$0xA000];
	v12 =	vsub.f32 v3, v2;
	v13 =	vsub.f32 v5, v4  }
0x1a5: {  	v15 =	vsub.f32 v8, v6;
	v16 =	vsub.f32 $1.000000000e+00, v9;
	v17 =	vmul.f32 v10, v9  }
0x1a6: {  	v19 =	vld [tilespmem:s25+$0xA800];
	v18 =	vsub.f32 v4, v2;
	v20 =	vsub.f32 v5, v3  }
0x1a7: {  	v22 =	vld [tilespmem:s25+$0x1800];
	v21 =	vsub.f32 $1.000000000e+00, v10;
	v5 =	vmul.f32 v17, v5;
	v12 =	vmul.f32 v16, v12  }
0x1a8: {  	v13 =	vmul.f32 v9, v13;
	v15 =	vmul.f32 v16, v15  }
0x1a9: {  	v23 =	vsub.f32 v14, v6;
	v18 =	vmul.f32 v21, v18;
	v20 =	vmul.f32 v10, v20  }
0x1aa: {  	v24 =	vmul.f32 v21, v16;
	v16 =	vmul.f32 v10, v16  }
0x1ab: {  	v25 =	vsub.f32 v19, v8;
	v23 =	vmul.f32 v21, v23;
	v21 =	vmul.f32 v21, v9  }
0x1ac: {  	v26 =	vsub.f32 $1.000000000e+00, v22;
	v2 =	vmul.f32 v24, v2;
	v3 =	vmul.f32 v16, v3  }
0x1ad: {  	v6 =	vmul.f32 v24, v6;
	v24 =	vsub.f32 v19, v14;
	v8 =	vmul.f32 v16, v8  }
0x1ae: {  	v10 =	vmul.f32 v10, v25;
	v12 =	vadd.f32 v12, v13;
	v2 =	vadd.f32 v2, v3  }
0x1af: {  	v3 =	vmul.f32 v21, v4;
	v4 =	vadd.f32 v6, v8;
	v6 =	vmul.f32 v21, v14  }
0x1b0: {  	s26 =	simm.s32 $0x410;
	v10 =	vadd.f32 v23, v10;
	v8 =	vadd.f32 v18, v20;
	v9 =	vmul.f32 v9, v24  }
0x1b1: {  	v13 =	vld [tilespmem:s26+$0x7000];
	v2 =	vadd.f32 v2, v3;
	v3 =	vadd.f32 v4, v6;
	v4 =	vmul.f32 v17, v19  }
0x1b2: {  	v14 =	vld [tilespmem:s26+$0x7800];
	v10 =	vmul.f32 v10, v22;
	v8 =	vmul.f32 v8, v26;
	v9 =	vadd.f32 v15, v9  }
0x1b3: {  	v18 =	vld [tilespmem:s26+$0x2800];
	v5 =	vadd.f32 v2, v5;
	v16 =	vadd.f32 v3, v4  }
0x1b4: {  	v21 =	vld [tilespmem:s26+$0xA000];
	v2 =	vadd.f32 v10, v8  }
0x1b5: {  	v6 =	vld [tilespmem:s26+$0x8000];
	v4 =	vmul.f32 v12, v26;
	v9 =	vmul.f32 v9, v22;
	v3 =	vsub.f32 v16, v5  }
0x1b6: {  	v15 =	vld [tilespmem:s26+$0x8800]  }
0x1b7: {  	v17 =	vld [tilespmem:s26+$0x9000];
	v12 =	vmul.f32 v2, v2;
	v4 =	vadd.f32 v9, v4;
	v9 =	vmul.f32 v3, v3  }
0x1b8: {  	v10 =	vld [tilespmem:s26+$0x2000]  }
0x1b9: {  	v9 =	vadd.f32 v9, v12;
	v12 =	vmul.f32 v4, v4  }
0x1ba: {  	v11 =	vmin.f32 v11, $0.0e+00;
	v23 =	vld [tilespmem:s26+$0xA800];
	v19 =	vsub.f32 v14, v13;
	v28 =	vsub.f32 $1.000000000e+00, v18  }
0x1bb: {  	v8 =	vld [tilespmem:s26+$0x9800];
	v5 =	vmul.f32 v5, v26;
	v20 =	vsub.f32 v15, v6;
	v9 =	vadd.f32 v9, v12  }
0x1bc: {  	v16 =	vmul.f32 v16, v22;
	v22 =	vsub.f32 v6, v13;
	v31 =	vsub.f32 v21, v17  }
0x1bd: {  	v24 =	vmul.f32 v18, v10;
	v26 =	vshrl.u32 v9, $0x1;
	v27 =	vmul.f32 $5.000000000e-01, v9  }
0x1be: {  	v25 =	vsub.f32 $1.000000000e+00, v10;
	v20 =	vmul.f32 v10, v20;
	v26 =	vsub.s32 $0x5F3759DF, v26  }
0x1bf: {  	v16 =	vadd.f32 v16, v5;
	v22 =	vmul.f32 v28, v22;
	v29 =	vmul.f32 v26, v27  }
0x1c0: {  	v63 =	vsub.f32 v23, v8;
	v31 =	vmul.f32 v28, v31;
	v19 =	vmul.f32 v25, v19  }
0x1c1: {  	v30 =	vld [tilespmem:s26+$0x1800];
	v5 =	vmul.f32 v18, v25;
	v12 =	vsub.f32 v8, v17;
	v29 =	vmul.f32 v26, v29  }
0x1c2: {  	v32 =	vmul.f32 v18, v63;
	v9 =	vsub.f32 v15, v14;
	v15 =	vmul.f32 v24, v15  }
0x1c3: {  	v12 =	vmul.f32 v25, v12;
	v14 =	vmul.f32 v5, v14;
	v29 =	vsub.f32 $1.500000000e+00, v29  }
0x1c4: {  	v11 =	vadd.f32 v11, v1;
	v1 =	vmul.f32 v18, v9;
	v9 =	vmul.f32 v28, v25  }
0x1c5: {  	v19 =	vadd.f32 v19, v20;
	v5 =	vmul.f32 v5, v8;
	v26 =	vmul.f32 v26, v29  }
0x1c6: {  	v18 =	vmul.f32 v28, v10;
	v25 =	vsub.f32 $1.000000000e+00, v30;
	v13 =	vmul.f32 v9, v13  }
0x1c7: {  	v9 =	vmul.f32 v9, v17;
	v17 =	vsub.f32 v23, v21;
	v8 =	vmul.f32 v26, v27  }
0x1c8: {  	v6 =	vmul.f32 v18, v6;
	v1 =	vadd.f32 v22, v1;
	v13 =	vadd.f32 v13, v14  }
0x1c9: {  	s28 =	simm.s32 $0x420;
	[tilespmem:s25+$0xB000] =	vst v16;
	v5 =	vadd.f32 v9, v5;
	v14 =	vmul.f32 v18, v21;
	v8 =	vmul.f32 v8, v26  }
0x1ca: {  	v22 =	vld [tilespmem:s28+$0x2800];
	v17 =	vmul.f32 v10, v17;
	v6 =	vadd.f32 v13, v6;
	v13 =	vadd.f32 v31, v32  }
0x1cb: {  	v9 =	vld [tilespmem:s28+$0x7000];
	v5 =	vadd.f32 v5, v14;
	v14 =	vmul.f32 v24, v23;
	v20 =	vsub.f32 $1.500000000e+00, v8  }
0x1cc: {  	v10 =	vld [tilespmem:s28+$0x7800];
	v1 =	vmul.f32 v1, v25;
	v12 =	vadd.f32 v12, v17;
	v13 =	vmul.f32 v13, v30  }
0x1cd: {  	v18 =	vld [tilespmem:s28+$0x8800];
	v6 =	vadd.f32 v6, v15;
	v21 =	vadd.f32 v5, v14;
	v20 =	vmul.f32 v20, v26  }
0x1ce: {  	v7 =	vmin.f32 v7, $0.0e+00;
	v17 =	vld [tilespmem:s28+$0x9800];
	v14 =	vmul.f32 v12, v30;
	v1 =	vadd.f32 v13, v1  }
0x1cf: {  	v15 =	vld [tilespmem:s28+$0x9000];
	v13 =	vmul.f32 v19, v25;
	v5 =	vsub.f32 v21, v6;
	v19 =	vmul.f32 v20, v27  }
0x1d0: {  	v7 =	vadd.f32 v7, v11;
	v16 =	vmin.f32 v16, $0.0e+00;
	v12 =	vld [tilespmem:s28+$0x2000];
	v24 =	vmul.f32 v1, v1  }
0x1d1: {  	v8 =	vld [tilespmem:s28+$0x8000];
	v14 =	vadd.f32 v14, v13;
	v13 =	vmul.f32 v5, v5;
	v19 =	vmul.f32 v19, v20  }
0x1d2: {  	v23 =	vsub.f32 v10, v9;
	v11 =	vmul.f32 v6, v25;
	v6 =	vadd.f32 v16, v7  }
0x1d3: {  	v7 =	vadd.f32 v13, v24;
	v13 =	vmul.f32 v14, v14;
	v19 =	vsub.f32 $1.500000000e+00, v19  }
0x1d4: {  	v29 =	vsub.f32 v18, v10;
	v16 =	vmul.f32 v21, v30;
	v28 =	vsub.f32 v17, v15  }
0x1d5: {  	v21 =	vld [tilespmem:s28+$0xA000];
	v25 =	vsub.f32 $1.000000000e+00, v12;
	v7 =	vadd.f32 v7, v13;
	v30 =	vmul.f32 v19, v20  }
0x1d6: {  	v27 =	vsub.f32 v18, v8;
	v26 =	vsub.f32 v8, v9;
	v19 =	vmul.f32 v22, v12;
	v20 =	vld [tilespmem:s28+$0xA800]  }
0x1d7: {  	s29 =	simm.s32 $0x10C0;
	v24 =	vshrl.u32 v7, $0x1;
	v13 =	vmul.f32 $5.000000000e-01, v7;
	v7 =	vmin.f32 v30, $1.000000000e+05  }
.LBB2_8:
0x1d8: {  	p0 =	sne.s32 s29, $0x1FC0;
	v30 =	vmul.f32 v19, v18;
	v18 =	vsub.s32 $0x5F3759DF, v24;
	v24 =	vmul.f32 v7, v4;
	v4 =	vmovc v14  }
0x1d9: {  	v14 =	vsub.f32 $1.000000000e+00, v22;
	v23 =	vmul.f32 v25, v23;
	v31 =	vmul.f32 v18, v13  }
0x1da: {  	v27 =	vmul.f32 v12, v27;
	v28 =	vmul.f32 v25, v28;
	v32 =	vld [tilespmem:s28+$0x1800];
	v33 =	vsub.f32 v21, v15;
	[tilespmem:s25+$0xC800] =	vst v24  }
0x1db: {  	v24 =	vmul.f32 v14, v26;
	v26 =	vsub.f32 v20, v17;
	v31 =	vmul.f32 v18, v31  }
0x1dc: {  	v29 =	vmul.f32 v22, v29;
	v11 =	vadd.f32 v16, v11;
	v33 =	vmul.f32 v14, v33  }
0x1dd: {  	v16 =	vmul.f32 v14, v25;
	v26 =	vmul.f32 v22, v26;
	v31 =	vsub.f32 $1.500000000e+00, v31  }
0x1de: {  	v14 =	vmul.f32 v14, v12;
	v22 =	vmul.f32 v22, v25;
	v25 =	vmin.f32 v11, $0.0e+00;
	[tilespmem:s26+$0xB000] =	vst v11  }
0x1df: {  	v9 =	vmul.f32 v16, v9;
	v11 =	vsub.f32 $1.000000000e+00, v32;
	v31 =	vmul.f32 v18, v31  }
0x1e0: {  	v15 =	vmul.f32 v16, v15;
	v16 =	vsub.f32 v20, v21;
	v10 =	vmul.f32 v22, v10  }
0x1e1: {  	v17 =	vmul.f32 v22, v17;
	v22 =	vadd.f32 v23, v27;
	v18 =	vmul.f32 v31, v13  }
0x1e2: {  	v8 =	vmul.f32 v14, v8;
	v23 =	vadd.f32 v24, v29;
	v10 =	vadd.f32 v9, v10  }
0x1e3: {  	s30 =	sshra.s32 s29, $0x2;
	v14 =	vmul.f32 v14, v21;
	v15 =	vadd.f32 v15, v17;
	v17 =	vmul.f32 v18, v31  }
0x1e4: {  	v12 =	vmul.f32 v12, v16;
	v21 =	vadd.f32 v10, v8;
	v18 =	vadd.f32 v33, v26;
	v9 =	vld [tilespmem:s30+$0x7000]  }
0x1e5: {  	v14 =	vadd.f32 v15, v14;
	v15 =	vmul.f32 v19, v20;
	v10 =	vld [tilespmem:s30+$0x7800];
	v16 =	vsub.f32 $1.500000000e+00, v17  }
0x1e6: {  	v12 =	vadd.f32 v28, v12;
	v17 =	vmul.f32 v23, v11;
	v19 =	vmul.f32 v18, v32;
	v8 =	vld [tilespmem:s30+$0x8000]  }
0x1e7: {  	v20 =	vadd.f32 v21, v30;
	v21 =	vadd.f32 v14, v15;
	v18 =	vld [tilespmem:s30+$0x8800];
	v24 =	vmul.f32 v16, v31  }
0x1e8: {  	v14 =	vmul.f32 v22, v11;
	v19 =	vadd.f32 v19, v17;
	v16 =	vmul.f32 v7, v3;
	v3 =	vmovc v5;
	v15 =	vld [tilespmem:s30+$0x9000]  }
0x1e9: {  	v23 =	vmul.f32 v12, v32;
	v5 =	vsub.f32 v21, v20;
	v17 =	vld [tilespmem:s30+$0x9800];
	v13 =	vmul.f32 v24, v13  }
0x1ea: {  	v6 =	vadd.f32 v25, v6;
	v11 =	vmul.f32 v20, v11;
	v20 =	vmul.f32 v19, v19;
	v12 =	vld [tilespmem:s30+$0x2000];
	[tilespmem:s25+$0xB800] =	vst v16  }
0x1eb: {  	v14 =	vadd.f32 v23, v14;
	v25 =	vmul.f32 v5, v5;
	v22 =	vld [tilespmem:s30+$0x2800];
	v13 =	vmul.f32 v13, v24  }
0x1ec: {  	v7 =	vmul.f32 v7, v2;
	v2 =	vmovc v1;
	v23 =	vsub.f32 v10, v9;
	v16 =	vmul.f32 v21, v32  }
.Ltmp3:
0x1ed: {  	v1 =	vmovc v19;
	v20 =	vadd.f32 v25, v20;
	v25 =	vmul.f32 v14, v14;
	v13 =	vsub.f32 $1.500000000e+00, v13;
	(pc) =	sbr.rel @p0 .LBB2_8-.Ltmp3, $4  }
0x1ee: {  	v27 =	vsub.f32 v18, v8;
	v28 =	vsub.f32 v17, v15;
	[tilespmem:s25+$0xC000] =	vst v7;
	s25 =	smov.u32 s26;
	s26 =	smov.u32 s28;
	s28 =	smov.u32 s30  }
0x1ef: {  	v26 =	vsub.f32 v8, v9;
	v7 =	vadd.f32 v20, v25;
	v21 =	vld [tilespmem:s28+$0xA000];
	v30 =	vmul.f32 v13, v24  }
0x1f0: {  	v29 =	vsub.f32 v18, v10;
	v25 =	vsub.f32 $1.000000000e+00, v12;
	v20 =	vld [tilespmem:s28+$0xA800];
	v19 =	vmul.f32 v22, v12  }
0x1f1: {  	s29 =	sadd.s32 $0x40, s29;
	v24 =	vshrl.u32 v7, $0x1;
	v13 =	vmul.f32 $5.000000000e-01, v7;
	v7 =	vmin.f32 v30, $1.000000000e+05  }
0x1f2: {  	v23 =	vmul.f32 v25, v23;
	v27 =	vmul.f32 v12, v27  }
0x1f3: {  	v31 =	vsub.f32 $1.000000000e+00, v22;
	v28 =	vmul.f32 v25, v28;
	v29 =	vmul.f32 v22, v29  }
0x1f4: {  	v58 =	vmul.f32 v22, v25;
	v18 =	vmul.f32 v19, v18  }
0x1f5: {  	v33 =	vsub.f32 v21, v15;
	v59 =	vmul.f32 v31, v25;
	v26 =	vmul.f32 v31, v26  }
0x1f6: {  	v32 =	vld [tilespmem:s28+$0x1800];
	v10 =	vmul.f32 v58, v10;
	v62 =	vmul.f32 v58, v17;
	v23 =	vadd.f32 v23, v27  }
0x1f7: {  	v30 =	vsub.f32 v20, v17;
	v33 =	vmul.f32 v31, v33;
	v9 =	vmul.f32 v59, v9  }
0x1f8: {  	v63 =	vsub.f32 v20, v21;
	v31 =	vmul.f32 v31, v12;
	v60 =	vmul.f32 v59, v15  }
0x1f9: {  	v34 =	vadd.f32 v26, v29;
	v30 =	vmul.f32 v22, v30;
	v9 =	vadd.f32 v9, v10  }
0x1fa: {  	v8 =	vmul.f32 v31, v8;
	v27 =	vadd.f32 v60, v62;
	v31 =	vmul.f32 v31, v21  }
0x1fb: {  	v61 =	vsub.f32 $1.000000000e+00, v32;
	v36 =	vmul.f32 v12, v63;
	v35 =	vadd.f32 v33, v30  }
0x1fc: {  	v38 =	vmul.f32 v19, v20;
	v8 =	vadd.f32 v9, v8;
	v37 =	vadd.f32 v27, v31  }
0x1fd: {  	v39 =	vmul.f32 v34, v61;
	v12 =	vadd.f32 v28, v36  }
0x1fe: {  	v40 =	vmul.f32 v35, v32;
	v8 =	vadd.f32 v8, v18;
	v9 =	vadd.f32 v37, v38  }
0x1ff: {  	v42 =	vmul.f32 v23, v61  }
0x200: {  	v12 =	vmul.f32 v12, v32;
	v41 =	vadd.f32 v40, v39;
	v43 =	vsub.f32 v9, v8;
	_ =	sdelay $0x1  }
0x201: {  	v12 =	vadd.f32 v12, v42;
	v44 =	vmul.f32 v41, v41;
	v45 =	vmul.f32 v43, v43;
	_ =	sdelay $0x1  }
0x202: {  	v46 =	vmul.f32 v12, v12;
	v15 =	vadd.f32 v45, v44  }
0x203: {  	v47 =	vsub.s32 $0x5F3759DF, v24  }
0x204: {  	v48 =	vmul.f32 v47, v13;
	v15 =	vadd.f32 v15, v46;
	_ =	sdelay $0x1  }
0x205: {  	v49 =	vmul.f32 v47, v48;
	v50 =	vshrl.u32 v15, $0x1;
	v15 =	vmul.f32 $5.000000000e-01, v15  }
0x206: {  	v20 =	vsub.s32 $0x5F3759DF, v50  }
0x207: {  	v18 =	vsub.f32 $1.500000000e+00, v49;
	v51 =	vmul.f32 v20, v15;
	_ =	sdelay $0x1  }
0x208: {  	v18 =	vmul.f32 v47, v18;
	v52 =	vmul.f32 v20, v51;
	_ =	sdelay $0x1  }
0x209: {  	v53 =	vmul.f32 v18, v13;
	v19 =	vsub.f32 $1.500000000e+00, v52;
	_ =	sdelay $0x1  }
0x20a: {  	v21 =	vmul.f32 v53, v18;
	v19 =	vmul.f32 v20, v19;
	_ =	sdelay $0x1  }
0x20b: {  	v54 =	vsub.f32 $1.500000000e+00, v21;
	v55 =	vmul.f32 v19, v15;
	_ =	sdelay $0x1  }
0x20c: {  	v18 =	vmul.f32 v54, v18;
	v56 =	vmul.f32 v55, v19;
	_ =	sdelay $0x1  }
0x20d: {  	v57 =	vmul.f32 v18, v13;
	v20 =	vsub.f32 $1.500000000e+00, v56;
	_ =	sdelay $0x1  }
0x20e: {  	v13 =	vmul.f32 v57, v18;
	v19 =	vmul.f32 v20, v19;
	_ =	sdelay $0x1  }
0x20f: {  	v13 =	vsub.f32 $1.500000000e+00, v13;
	v15 =	vmul.f32 v19, v15  }
0x210: {  	v4 =	vmul.f32 v7, v4;
	v3 =	vmul.f32 v7, v3  }
0x211: {  	v11 =	vadd.f32 v16, v11;
	v13 =	vmul.f32 v13, v18;
	v15 =	vmul.f32 v15, v19  }
0x212: {  	v2 =	vmul.f32 v7, v2;
	[tilespmem:s25+$0xC800] =	vst v4;
	v58 =	vmul.f32 v8, v61  }
0x213: {  	[tilespmem:s26+$0xB000] =	vst v11;
	v59 =	vmul.f32 v9, v32;
	v60 =	vmin.f32 v13, $1.000000000e+05;
	v61 =	vsub.f32 $1.500000000e+00, v15  }
0x214: {  	[tilespmem:s25+$0xB800] =	vst v3;
	v3 =	vmul.f32 v60, v14  }
0x215: {  	[tilespmem:s25+$0xC000] =	vst v2;
	v2 =	vadd.f32 v59, v58;
	v62 =	vmul.f32 v61, v19  }
0x216: {  	[tilespmem:s26+$0xC800] =	vst v3;
	v3 =	vmul.f32 v60, v5  }
0x217: {  	v1 =	vmul.f32 v60, v1;
	[tilespmem:s28+$0xB000] =	vst v2;
	v4 =	vmin.f32 v62, $1.000000000e+05  }
0x218: {  	v63 =	vmin.f32 v11, $0.0e+00;
	[tilespmem:s26+$0xB800] =	vst v3;
	v3 =	vmul.f32 v4, v12  }
0x219: {  	v5 =	vadd.f32 v63, v6;
	[tilespmem:s26+$0xC000] =	vst v1;
	v1 =	vmul.f32 v4, v43  }
0x21a: {  	v2 =	vmin.f32 v2, $0.0e+00;
	[tilespmem:s28+$0xC800] =	vst v3;
	v3 =	vmul.f32 v4, v41  }
0x21b: {  	v2 =	vadd.f32 v2, v5;
	[tilespmem:s28+$0xB800] =	vst v1  }
0x21c: {  	[tilespmem:s28+$0xC000] =	vst v3  }
0x21d: {  	[tilespmem:$0xD100] =	vst v2  }
0x21e: {  	[hbm4b:s8+s3] =	stream.linear.scatter [tilespmem:s19], [sflag:$0x3], $0x800, $0x38;
	[tilespmem:$0xD180] =	vst v63  }
0x21f: {  	_ =	swait.ge [sflag:s14], $0x800  }
0x220: {  	[sflag:s14] =	ssyncset.done $0x0  }
0x221: {  	[sflag:s14] =	ssyncadd.s32 $0xFFFFF800  }
0x222: {  	[hbm4b:s9+s3] =	stream.linear.scatter [tilespmem:s20], [sflag:$0x3], $0x800, $0x38;
	[tilespmem:$0xD180] =	vst v63  }
0x223: {  	_ =	swait.ge [sflag:s14], $0x800  }
0x224: {  	[sflag:s14] =	ssyncset.done $0x0  }
0x225: {  	[sflag:s14] =	ssyncadd.s32 $0xFFFFF800  }
0x226: {  	[hbm4b:s10+s3] =	stream.linear.scatter [tilespmem:s21], [sflag:$0x3], $0x800, $0x38;
	[tilespmem:$0xD180] =	vst v63  }
0x227: {  	_ =	swait.ge [sflag:s14], $0x800  }
0x228: {  	[sflag:s14] =	ssyncset.done $0x0  }
0x229: {  	[sflag:s14] =	ssyncadd.s32 $0xFFFFF800  }
0x22a: {  	[hbm4b:s11+s3] =	stream.linear.scatter [tilespmem:s22], [sflag:$0x3], $0x800, $0x38;
	[tilespmem:$0xD180] =	vst v63  }
0x22b: {  	s24 =	sadd.s32 $0x1, s24;
	_ =	swait.ge [sflag:s14], $0x800  }
0x22c: {  	p0 =	sne.s32 s24, s13;
	[sflag:s14] =	ssyncset.done $0x0  }
.Ltmp4:
0x22d: {  	[sflag:s14] =	ssyncadd.s32 $0xFFFFF800;
	(pc) =	sbr.rel @p0 .LBB2_1-.Ltmp4, $4  }
0x22e: {  	[hbm4b:s12+s3] =	stream.linear.scatter [tilespmem:s23], [sflag:$0x3], $0x10, $0x38;
	[tilespmem:$0xD180] =	vst v63  }
0x22f: {  	_ =	swait.ge [sflag:s14], $0x10  }
0x230: {  	[sflag:s14] =	ssyncset.done $0x0  }
0x231: {  	[sflag:s14] =	ssyncadd.s32 $0xFFFFFFF0  }
0x232: {  	_ =	sfence.sel $0x180000  }
0x233: {  	[bflag:$0x0] =	sbarrier.arrive $0xFFFF  }
0x234: {  	_ =	strace $0x90000047  }
0x235: {  	s0 =	stileid.u32;
	[bflag:$0x2] =	sbarrier.arrive $0xFFFF  }
0x236: {  	p0 =	sne.s32 s0, $0x0;
	s0 =	rddreg [dreg:$0x4]  }
0x237: {  	s0 =	sadd.s32 @!p0 $0x100000, s0  }
0x238: {  	[sflag:s0] =	ssyncadd.tile.s32 @!p0 $0x1;
	_ =	shalt  }
.Lfunc_end2:
_tile_overlayer_lowered:
.L_overlay_start_2:
0x239: {  	(tag) =	ssettag $0x2  }
0x23a: {  	s0 =	rddreg [dreg:$0x0];
	s2 =	stileid.u32  }
0x23b: {  	s1 =	rddreg [dreg:$0x1];
	p0 =	sne.s32 s2, $0x0  }
0x23c: {  	s3 =	rddreg [dreg:$0x2];
	[bflag:$0x3] =	sbarrier.arrive $0xFFFF;
	s2 =	simm.s32 @!p0 $0x1C03  }
0x23d: {  	[timem:s3], [sflag:s2] =	dma.local @!p0 [hbm:s0], s1  }
0x23e: {  	s0 =	simm.s32 @!p0 $0x3  }
0x23f: {  	_ =	swait.ge @!p0 [sflag:s0], s1  }
0x240: {  	s1 =	ssub.s32 @!p0 $0x0, s1;
	[sflag:s0] =	ssyncset.done @!p0 $0x0  }
0x241: {  	[sflag:s0] =	ssyncadd.s32 @!p0 s1  }
0x242: {  	[bflag:$0x3] =	sbarrier.arrive $0xFFFF  }
0x243: {  	_ =	shalt  }

</sc_bundles>
